<compile_context>
chip_gen: v7x
topology: tpu7x:2x2x1
jax: 0.10.2.dev20260603
libtpu: 0.0.44.dev20260713+nightly
codegen_flags: <defaults>
</compile_context>

<pallas_src>
import jax
import jax.numpy as jnp
from jax import lax
from jax.experimental import pallas as pl
from jax.experimental.pallas import tpu as pltpu
from jax.experimental.pallas import tpu_sc as plsc

NC = 2
NS = 16
NW = NC * NS
LN = 16


def _round_up(a, m):
    return (a + m - 1) // m * m


def _sc_gather_hist(idx3, dst3, table, TP, D):
    RW = idx3.shape[1]
    CPW = dst3.shape[1]
    TR = TP // 128

    def body(idx_hbm, dst_hbm, tab_hbm, enc_out, deg_out,
             idx_v, rows_v, dst_v, deg_v, sem):
        cid = lax.axis_index("c")
        sid = lax.axis_index("s")
        wid = cid * NS + sid

        pltpu.sync_copy(idx_hbm.at[wid], idx_v)
        for j in range(RW):
            pltpu.async_copy(tab_hbm.at[idx_v.at[j]], rows_v, sem).wait()
            pltpu.sync_copy(rows_v, enc_out.at[pl.ds((wid * RW + j) * 128, 128)])

        pltpu.sync_copy(dst_hbm.at[wid], dst_v)
        z16 = jnp.zeros((LN,), jnp.float32)
        o16 = jnp.ones((LN,), jnp.float32)

        def zero_body(i, c):
            for cc in range(8):
                deg_v[i, pl.ds(cc * LN, LN)] = z16
            return c
        lax.fori_loop(0, TR, zero_body, 0)

        def hist_body(i, c):
            for cc in range(8):
                dvec = dst_v[i, pl.ds(cc * LN, LN)]
                plsc.addupdate_scatter(
                    deg_v, [lax.shift_right_logical(dvec, 7),
                            lax.bitwise_and(dvec, 127)], o16)
            return c
        lax.fori_loop(0, CPW, hist_body, 0)
        pltpu.sync_copy(deg_v, deg_out.at[wid])

    mesh = plsc.VectorSubcoreMesh(core_axis_name="c", subcore_axis_name="s",
                                  num_cores=NC, num_subcores=NS)
    f = pl.kernel(
        body,
        out_type=[
            jax.ShapeDtypeStruct((NW * RW * 128, D), jnp.float32),
            jax.ShapeDtypeStruct((NW, TR, 128), jnp.float32),
        ],
        mesh=mesh,
        scratch_types=[
            pltpu.VMEM((RW, 128), jnp.int32),
            pltpu.VMEM((128, D), jnp.float32),
            pltpu.VMEM((CPW, 128), jnp.int32),
            pltpu.VMEM((TR, 128), jnp.float32),
            pltpu.SemaphoreType.DMA,
        ],
        compiler_params=pltpu.CompilerParams(needs_layout_passes=False),
    )
    return f(idx3, dst3, table)


def _sc_edge_agg(src3, dst3, y128, TP):
    CPW = src3.shape[1]
    RPT = TP // NS

    chunks = []
    off = 0
    while off < RPT:
        sz = min(128, RPT - off)
        chunks.append((off, sz))
        off += sz

    def body(src_hbm, dst_hbm, y_hbm, parts_out,
             src_v, dst_v, rows_v, agg_sh, sem):
        cid = lax.axis_index("c")
        sid = lax.axis_index("s")
        wid = cid * NS + sid

        z16 = jnp.zeros((LN,), jnp.float32)

        def zero_body(i, c):
            for cc in range(8):
                rows_v[i, pl.ds(cc * LN, LN)] = z16
            return c
        lax.fori_loop(0, 128, zero_body, 0)
        for off, sz in chunks:
            pltpu.sync_copy(rows_v.at[pl.ds(0, sz)],
                            agg_sh.at[pl.ds(sid * RPT + off, sz)])
        plsc.subcore_barrier()

        def edge_body(j, c):
            pltpu.sync_copy(src_hbm.at[wid, j], src_v)
            pltpu.sync_copy(dst_hbm.at[wid, j], dst_v)
            pltpu.async_copy(y_hbm.at[src_v], rows_v, sem).wait()
            pltpu.sync_copy(rows_v, agg_sh.at[dst_v], add=True)
            return c
        lax.fori_loop(0, CPW, edge_body, 0)
        plsc.subcore_barrier()

        for off, sz in chunks:
            pltpu.sync_copy(agg_sh.at[pl.ds(sid * RPT + off, sz)],
                            rows_v.at[pl.ds(0, sz)])
            pltpu.sync_copy(rows_v.at[pl.ds(0, sz)],
                            parts_out.at[pl.ds(cid * TP + sid * RPT + off, sz)])

    mesh = plsc.VectorSubcoreMesh(core_axis_name="c", subcore_axis_name="s",
                                  num_cores=NC, num_subcores=NS)
    f = pl.kernel(
        body,
        out_type=jax.ShapeDtypeStruct((NC * TP, 128), jnp.float32),
        mesh=mesh,
        scratch_types=[
            pltpu.VMEM((128,), jnp.int32),
            pltpu.VMEM((128,), jnp.int32),
            pltpu.VMEM((128, 128), jnp.float32),
            pltpu.VMEM_SHARED((TP, 128), jnp.float32),
            pltpu.SemaphoreType.DMA,
        ],
    )
    return f(src3, dst3, y128)


def _tc_matmul(enc, W):
    NR = enc.shape[0]
    RB = 4096

    def body(e_ref, w_ref, o_ref):
        o_ref[...] = jnp.dot(e_ref[...], w_ref[...],
                             preferred_element_type=jnp.float32)

    return pl.pallas_call(
        body,
        grid=(NR // RB,),
        in_specs=[
            pl.BlockSpec((RB, enc.shape[1]), lambda i: (i, 0)),
            pl.BlockSpec(W.shape, lambda i: (0, 0)),
        ],
        out_specs=pl.BlockSpec((RB, W.shape[1]), lambda i: (i, 0)),
        out_shape=jax.ShapeDtypeStruct((NR, W.shape[1]), jnp.float32),
    )(enc, W)


def _tc_attention(logits3, enc3, PE):
    N, K, T = logits3.shape
    D = enc3.shape[2]

    def body(l_ref, e_ref, p_ref, att_ref, o_ref):
        v = l_ref[...]
        m = jnp.max(v, axis=-1, keepdims=True)
        ex = jnp.exp(v - m)
        att = ex / jnp.sum(ex, axis=-1, keepdims=True)
        att_ref[...] = att
        e = e_ref[...] + p_ref[...]
        o_ref[...] = jnp.dot(att, e, preferred_element_type=jnp.float32)

    return pl.pallas_call(
        body,
        grid=(N,),
        in_specs=[
            pl.BlockSpec((None, K, T), lambda n: (n, 0, 0)),
            pl.BlockSpec((None, T, D), lambda n: (n, 0, 0)),
            pl.BlockSpec((None, T, D), lambda n: (n, 0, 0)),
        ],
        out_specs=[
            pl.BlockSpec((None, K, T), lambda n: (n, 0, 0)),
            pl.BlockSpec((None, K, D), lambda n: (n, 0, 0)),
        ],
        out_shape=[
            jax.ShapeDtypeStruct((N, K, T), jnp.float32),
            jax.ShapeDtypeStruct((N, K, D), jnp.float32),
        ],
    )(logits3, enc3, PE)


def kernel(x, edge_index, PE, embed_table, code_token, W, b):
    T, N = x.shape
    D = embed_table.shape[1]
    OUT = W.shape[1]
    E = edge_index.shape[1]
    F = N * OUT

    TP = _round_up(T + 1, 128)
    RW = -(-(T * N) // (NW * 128))
    NRI = NW * RW * 128
    CPW = -(-E // (NW * 128))
    EP = NW * CPW * 128

    src = edge_index[0]
    dst = edge_index[1]

    idx3 = jnp.concatenate(
        [x.T.reshape(-1),
         jnp.zeros((NRI - T * N,), jnp.int32)]).reshape(NW, RW, 128)
    pad_e = jnp.full((EP - E,), TP - 1, jnp.int32)
    src3 = jnp.concatenate([src, pad_e]).reshape(NW, CPW, 128)
    dst3 = jnp.concatenate([dst, pad_e]).reshape(NW, CPW, 128)

    enc, deg3 = _sc_gather_hist(idx3, dst3, embed_table, TP, D)
    deg = deg3.sum(axis=0).reshape(TP)[:T] + 1.0

    xw = _tc_matmul(enc, W)

    dinv = lax.rsqrt(deg)
    y2d = (xw[:T * N].reshape(N, T, OUT).transpose(1, 0, 2).reshape(T, F)
           * dinv[:, None])

    y128 = jnp.pad(y2d, ((0, TP - T), (0, 128 - F)))
    parts = _sc_edge_agg(src3, dst3, y128, TP)
    agg0 = (parts[:TP] + parts[TP:])[:T, :F]

    logits3 = (dinv[:, None] * (agg0 + y2d)
               + jnp.tile(b, N)[None, :]).T.reshape(N, OUT, T)
    enc3 = enc[:T * N].reshape(N, T, D)
    att3, learned = _tc_attention(logits3, enc3, PE)

    code_tokens = jnp.broadcast_to(code_token[None, :, :], (N, 1, D))
    out = jnp.concatenate([code_tokens, learned], axis=1)
    return (out, att3)

# --- scband reference (transcript-rebuilt; emitter-appended) ---
"""Pipeline reference for scband-feature-embedding-24713241821784 (READ-ONLY COPY).

The authoritative reference and input builder live on the scoring server;
editing this copy changes nothing except your own understanding.
"""

import jax, jax.numpy as jnp
import numpy as np

VOCAB = 100000
D = 128
T = 10000
N = 4
E = 320000
OUT = 8


def setup_inputs(seed: int = 0) -> dict:
    key = jax.random.key(seed)
    ks = jax.random.split(key, 8)
    x = jax.random.randint(ks[0], (T, N), 0, VOCAB, dtype=jnp.int32)
    edge_index = jax.random.randint(ks[1], (2, E), 0, T, dtype=jnp.int32)
    PE = jax.random.normal(ks[2], (N, T, D), dtype=jnp.float32)
    embed_table = jax.random.normal(ks[3], (VOCAB, D), dtype=jnp.float32) * 0.02
    code_token = jax.random.normal(ks[4], (1, D), dtype=jnp.float32) * (1.0 / np.sqrt(D))
    W = jax.random.normal(ks[5], (D, OUT), dtype=jnp.float32) * (1.0 / np.sqrt(D))
    b = jnp.zeros((OUT,), dtype=jnp.float32)
    return {"x": x, "edge_index": edge_index, "PE": PE, "embed_table": embed_table, "code_token": code_token, "W": W, "b": b}


def _gcn(encodes, edge_index, W, b, num_nodes):
    # encodes: [N, T, D] batched node features; GCNConv over the T (node) axis
    src = edge_index[0]
    dst = edge_index[1]
    loop = jnp.arange(num_nodes, dtype=src.dtype)
    src2 = jnp.concatenate([src, loop])
    dst2 = jnp.concatenate([dst, loop])
    deg = jax.ops.segment_sum(jnp.ones_like(dst2, dtype=jnp.float32), dst2, num_segments=num_nodes)
    dinv = jnp.where(deg > 0, 1.0 / jnp.sqrt(deg), 0.0)
    norm = dinv[src2] * dinv[dst2]
    xw = encodes @ W                       # [N, T, OUT]
    xw_t = jnp.transpose(xw, (1, 0, 2))    # [T, N, OUT]
    msgs = jnp.take(xw_t, src2, axis=0) * norm[:, None, None]  # [E+T, N, OUT]
    agg = jax.ops.segment_sum(msgs, dst2, num_segments=num_nodes)  # [T, N, OUT]
    return jnp.transpose(agg, (1, 0, 2)) + b  # [N, T, OUT]


def reference(x, edge_index, PE, embed_table, code_token, W, b):
    t, n = x.shape
    encodes = jnp.take(embed_table, x, axis=0)        # [T, N, D]
    encodes = jnp.transpose(encodes, (1, 0, 2))       # [N, T, D]
    att = _gcn(encodes, edge_index, W, b, t)          # [N, T, 8]
    att = jnp.transpose(att, (0, 2, 1))               # [N, 8, T]
    att = jax.nn.softmax(att, axis=-1)
    encodes = encodes + PE
    learned_tokens = jnp.einsum('nkt,ntd->nkd', att, encodes)  # [N, 8, D]
    code_tokens = jnp.broadcast_to(code_token[None, :, :], (n, 1, encodes.shape[-1]))
    out = jnp.concatenate([code_tokens, learned_tokens], axis=1)  # [N, 9, D]
    return (out, att)

if __name__ == "__main__":
    import jax
    _d = setup_inputs()
    print(jax.jit(kernel)(*tuple(_d.values())))

</pallas_src>

<mosaic_0001>
#map = affine_map<(d0, d1) -> (0, 0, 0)>
#map1 = affine_map<(d0, d1) -> (0, 0)>
module attributes {stable_mosaic.version = 14 : i64} {
  func.func @body(%arg0: i32, %arg1: i32, %arg2: memref<32x79x128xi32, #tpu.memory_space<hbm>>, %arg3: memref<32x79x128xi32, #tpu.memory_space<hbm>>, %arg4: memref<10112x128xf32, #tpu.memory_space<hbm>>, %arg5: memref<20224x128xf32, #tpu.memory_space<hbm>>, %arg6: memref<128xi32, #tpu.memory_space<vmem>>, %arg7: memref<128xi32, #tpu.memory_space<vmem>>, %arg8: memref<128x128xf32, #tpu.memory_space<vmem>>, %arg9: memref<10112x128xf32, #tpu.memory_space<vmem_shared>>, %arg10: memref<!tpu.dma_semaphore, #tpu.memory_space<semaphore_mem>>) attributes {dimension_semantics = [#tpu.dimension_semantics<core_parallel>, #tpu.dimension_semantics<subcore_parallel>], iteration_bounds = array<i64: 2, 16>, scalar_prefetch = 0 : i64, scratch_operands = 5 : i64, tpu.core_type = #tpu.core_type<sc_vector_subcore>, window_params = [{transform_indices = #map}, {transform_indices = #map}, {transform_indices = #map1}, {transform_indices = #map1}]} {
    %mul3A = arith.constant 16 : i32
    %mul3A_0 = arith.muli %arg0, %mul3A : i32
    %add3A = arith.addi %mul3A_0, %arg1 : i32
    %broadcast_in_dim3A = arith.constant 0.000000e+00 : f32
    %broadcast_in_dim3A_1 = vector.broadcast %broadcast_in_dim3A : f32 to vector<16xf32>
    %scan3A = arith.constant 0 : i32
    %scan3A_2 = arith.constant 0 : i32
    %scan3A_3 = arith.constant 128 : i32
    %scan3A_4 = arith.addi %scan3A_2, %scan3A_3 : i32
    %scan3A_5 = arith.constant 1 : i32
    scf.for %scan3A_89 = %scan3A_2 to %scan3A_4 step %scan3A_5  : i32 {
      %swap3A = arith.index_cast %scan3A_89 : i32 to index
      %swap3A_90 = arith.constant 0 : index
      %swap3A_91 = tpu.vector_load %arg8[%swap3A, %swap3A_90] {strides = array<i32>} : memref<128x128xf32, #tpu.memory_space<vmem>>, vector<1x16xf32>,
      %swap3A_92 = vector.shape_cast %swap3A_91 : vector<1x16xf32> to vector<16xf32>
      %swap3A_93 = vector.shape_cast %broadcast_in_dim3A_1 : vector<16xf32> to vector<1x16xf32>
      tpu.vector_store %arg8[%swap3A, %swap3A_90], %swap3A_93 {strides = array<i32>} : memref<128x128xf32, #tpu.memory_space<vmem>>, vector<1x16xf32>,
      %swap3A_94 = arith.index_cast %scan3A_89 : i32 to index
      %swap3A_95 = arith.constant 16 : index
      %swap3A_96 = tpu.vector_load %arg8[%swap3A_94, %swap3A_95] {strides = array<i32>} : memref<128x128xf32, #tpu.memory_space<vmem>>, vector<1x16xf32>,
      %swap3A_97 = vector.shape_cast %swap3A_96 : vector<1x16xf32> to vector<16xf32>
      %swap3A_98 = vector.shape_cast %broadcast_in_dim3A_1 : vector<16xf32> to vector<1x16xf32>
      tpu.vector_store %arg8[%swap3A_94, %swap3A_95], %swap3A_98 {strides = array<i32>} : memref<128x128xf32, #tpu.memory_space<vmem>>, vector<1x16xf32>,
      %swap3A_99 = arith.index_cast %scan3A_89 : i32 to index
      %swap3A_100 = arith.constant 32 : index
      %swap3A_101 = tpu.vector_load %arg8[%swap3A_99, %swap3A_100] {strides = array<i32>} : memref<128x128xf32, #tpu.memory_space<vmem>>, vector<1x16xf32>,
      %swap3A_102 = vector.shape_cast %swap3A_101 : vector<1x16xf32> to vector<16xf32>
      %swap3A_103 = vector.shape_cast %broadcast_in_dim3A_1 : vector<16xf32> to vector<1x16xf32>
      tpu.vector_store %arg8[%swap3A_99, %swap3A_100], %swap3A_103 {strides = array<i32>} : memref<128x128xf32, #tpu.memory_space<vmem>>, vector<1x16xf32>,
      %swap3A_104 = arith.index_cast %scan3A_89 : i32 to index
      %swap3A_105 = arith.constant 48 : index
      %swap3A_106 = tpu.vector_load %arg8[%swap3A_104, %swap3A_105] {strides = array<i32>} : memref<128x128xf32, #tpu.memory_space<vmem>>, vector<1x16xf32>,
      %swap3A_107 = vector.shape_cast %swap3A_106 : vector<1x16xf32> to vector<16xf32>
      %swap3A_108 = vector.shape_cast %broadcast_in_dim3A_1 : vector<16xf32> to vector<1x16xf32>
      tpu.vector_store %arg8[%swap3A_104, %swap3A_105], %swap3A_108 {strides = array<i32>} : memref<128x128xf32, #tpu.memory_space<vmem>>, vector<1x16xf32>,
      %swap3A_109 = arith.index_cast %scan3A_89 : i32 to index
      %swap3A_110 = arith.constant 64 : index
      %swap3A_111 = tpu.vector_load %arg8[%swap3A_109, %swap3A_110] {strides = array<i32>} : memref<128x128xf32, #tpu.memory_space<vmem>>, vector<1x16xf32>,
      %swap3A_112 = vector.shape_cast %swap3A_111 : vector<1x16xf32> to vector<16xf32>
      %swap3A_113 = vector.shape_cast %broadcast_in_dim3A_1 : vector<16xf32> to vector<1x16xf32>
      tpu.vector_store %arg8[%swap3A_109, %swap3A_110], %swap3A_113 {strides = array<i32>} : memref<128x128xf32, #tpu.memory_space<vmem>>, vector<1x16xf32>,
      %swap3A_114 = arith.index_cast %scan3A_89 : i32 to index
      %swap3A_115 = arith.constant 80 : index
      %swap3A_116 = tpu.vector_load %arg8[%swap3A_114, %swap3A_115] {strides = array<i32>} : memref<128x128xf32, #tpu.memory_space<vmem>>, vector<1x16xf32>,
      %swap3A_117 = vector.shape_cast %swap3A_116 : vector<1x16xf32> to vector<16xf32>
      %swap3A_118 = vector.shape_cast %broadcast_in_dim3A_1 : vector<16xf32> to vector<1x16xf32>
      tpu.vector_store %arg8[%swap3A_114, %swap3A_115], %swap3A_118 {strides = array<i32>} : memref<128x128xf32, #tpu.memory_space<vmem>>, vector<1x16xf32>,
      %swap3A_119 = arith.index_cast %scan3A_89 : i32 to index
      %swap3A_120 = arith.constant 96 : index
      %swap3A_121 = tpu.vector_load %arg8[%swap3A_119, %swap3A_120] {strides = array<i32>} : memref<128x128xf32, #tpu.memory_space<vmem>>, vector<1x16xf32>,
      %swap3A_122 = vector.shape_cast %swap3A_121 : vector<1x16xf32> to vector<16xf32>
      %swap3A_123 = vector.shape_cast %broadcast_in_dim3A_1 : vector<16xf32> to vector<1x16xf32>
      tpu.vector_store %arg8[%swap3A_119, %swap3A_120], %swap3A_123 {strides = array<i32>} : memref<128x128xf32, #tpu.memory_space<vmem>>, vector<1x16xf32>,
      %swap3A_124 = arith.index_cast %scan3A_89 : i32 to index
      %swap3A_125 = arith.constant 112 : index
      %swap3A_126 = tpu.vector_load %arg8[%swap3A_124, %swap3A_125] {strides = array<i32>} : memref<128x128xf32, #tpu.memory_space<vmem>>, vector<1x16xf32>,
      %swap3A_127 = vector.shape_cast %swap3A_126 : vector<1x16xf32> to vector<16xf32>
      %swap3A_128 = vector.shape_cast %broadcast_in_dim3A_1 : vector<16xf32> to vector<1x16xf32>
      tpu.vector_store %arg8[%swap3A_124, %swap3A_125], %swap3A_128 {strides = array<i32>} : memref<128x128xf32, #tpu.memory_space<vmem>>, vector<1x16xf32>,
    }
    %scan3A_6 = arith.constant 128 : i32
    %mul3A_7 = arith.constant 632 : i32
    %mul3A_8 = arith.muli %arg1, %mul3A_7 : i32
    %add3A_9 = arith.constant 0 : i32
    %add3A_10 = arith.addi %mul3A_8, %add3A_9 : i32
    "tpu.region"() ({
      %run_scoped3A = tpu.sem_alloc : memref<!tpu.dma_semaphore, #tpu.memory_space<semaphore_mem>>
      %dma_start3A = arith.constant 0 : i32
      %dma_start3A_89 = arith.constant 0 : i32
      %dma_start3A_90 = tpu.memref_slice %arg8[%dma_start3A, %dma_start3A_89] : memref<128x128xf32, #tpu.memory_space<vmem>> -> memref<128x128xf32, #tpu.memory_space<vmem>>
      %dma_start3A_91 = arith.constant 0 : i32
      %dma_start3A_92 = tpu.memref_slice %arg9[%add3A_10, %dma_start3A_91] : memref<10112x128xf32, #tpu.memory_space<vmem_shared>> -> memref<128x128xf32, #tpu.memory_space<vmem_shared>>
      %dma_start3A_93 = arith.constant 0 : i32
      %dma_start3A_94 = tpu.memref_slice %arg9[%add3A_10, %dma_start3A_93] : memref<10112x128xf32, #tpu.memory_space<vmem_shared>> -> memref<128x128xf32, #tpu.memory_space<vmem_shared>>
      %dma_start3A_95 = arith.constant 0 : i32
      %dma_start3A_96 = arith.constant 0 : i32
      %dma_start3A_97 = tpu.memref_slice %arg8[%dma_start3A_95, %dma_start3A_96] : memref<128x128xf32, #tpu.memory_space<vmem>> -> memref<128x128xf32, #tpu.memory_space<vmem>>
      tpu.enqueue_dma source(%dma_start3A_97 : memref<128x128xf32, #tpu.memory_space<vmem>>) target(%dma_start3A_94 : memref<128x128xf32, #tpu.memory_space<vmem_shared>>) target_semaphore(%run_scoped3A : memref<!tpu.dma_semaphore, #tpu.memory_space<semaphore_mem>>)
      %dma_wait3A = arith.constant 0 : i32
      %dma_wait3A_98 = arith.constant 0 : i32
      %dma_wait3A_99 = tpu.memref_slice %arg8[%dma_wait3A, %dma_wait3A_98] : memref<128x128xf32, #tpu.memory_space<vmem>> -> memref<128x128xf32, #tpu.memory_space<vmem>>
      %dma_wait3A_100 = arith.constant 0 : i32
      %dma_wait3A_101 = tpu.memref_slice %arg9[%add3A_10, %dma_wait3A_100] : memref<10112x128xf32, #tpu.memory_space<vmem_shared>> -> memref<128x128xf32, #tpu.memory_space<vmem_shared>>
      %dma_wait3A_102 = arith.constant 0 : i32
      %dma_wait3A_103 = tpu.memref_slice %arg9[%add3A_10, %dma_wait3A_102] : memref<10112x128xf32, #tpu.memory_space<vmem_shared>> -> memref<128x128xf32, #tpu.memory_space<vmem_shared>>
      %dma_wait3A_104 = arith.constant 0 : i32
      %dma_wait3A_105 = arith.constant 0 : i32
      %dma_wait3A_106 = tpu.memref_slice %arg8[%dma_wait3A_104, %dma_wait3A_105] : memref<128x128xf32, #tpu.memory_space<vmem>> -> memref<128x128xf32, #tpu.memory_space<vmem>>
      tpu.wait_dma2 semaphore(%run_scoped3A : memref<!tpu.dma_semaphore, #tpu.memory_space<semaphore_mem>>) src(%dma_wait3A_106 : memref<128x128xf32, #tpu.memory_space<vmem>>) dst(%dma_wait3A_103 : memref<128x128xf32, #tpu.memory_space<vmem_shared>>)
      tpu.yield
    }) : () -> ()
    %mul3A_11 = arith.constant 632 : i32
    %mul3A_12 = arith.muli %arg1, %mul3A_11 : i32
    %add3A_13 = arith.constant 128 : i32
    %add3A_14 = arith.addi %mul3A_12, %add3A_13 : i32
    "tpu.region"() ({
      %run_scoped3A = tpu.sem_alloc : memref<!tpu.dma_semaphore, #tpu.memory_space<semaphore_mem>>
      %dma_start3A = arith.constant 0 : i32
      %dma_start3A_89 = arith.constant 0 : i32
      %dma_start3A_90 = tpu.memref_slice %arg8[%dma_start3A, %dma_start3A_89] : memref<128x128xf32, #tpu.memory_space<vmem>> -> memref<128x128xf32, #tpu.memory_space<vmem>>
      %dma_start3A_91 = arith.constant 0 : i32
      %dma_start3A_92 = tpu.memref_slice %arg9[%add3A_14, %dma_start3A_91] : memref<10112x128xf32, #tpu.memory_space<vmem_shared>> -> memref<128x128xf32, #tpu.memory_space<vmem_shared>>
      %dma_start3A_93 = arith.constant 0 : i32
      %dma_start3A_94 = tpu.memref_slice %arg9[%add3A_14, %dma_start3A_93] : memref<10112x128xf32, #tpu.memory_space<vmem_shared>> -> memref<128x128xf32, #tpu.memory_space<vmem_shared>>
      %dma_start3A_95 = arith.constant 0 : i32
      %dma_start3A_96 = arith.constant 0 : i32
      %dma_start3A_97 = tpu.memref_slice %arg8[%dma_start3A_95, %dma_start3A_96] : memref<128x128xf32, #tpu.memory_space<vmem>> -> memref<128x128xf32, #tpu.memory_space<vmem>>
      tpu.enqueue_dma source(%dma_start3A_97 : memref<128x128xf32, #tpu.memory_space<vmem>>) target(%dma_start3A_94 : memref<128x128xf32, #tpu.memory_space<vmem_shared>>) target_semaphore(%run_scoped3A : memref<!tpu.dma_semaphore, #tpu.memory_space<semaphore_mem>>)
      %dma_wait3A = arith.constant 0 : i32
      %dma_wait3A_98 = arith.constant 0 : i32
      %dma_wait3A_99 = tpu.memref_slice %arg8[%dma_wait3A, %dma_wait3A_98] : memref<128x128xf32, #tpu.memory_space<vmem>> -> memref<128x128xf32, #tpu.memory_space<vmem>>
      %dma_wait3A_100 = arith.constant 0 : i32
      %dma_wait3A_101 = tpu.memref_slice %arg9[%add3A_14, %dma_wait3A_100] : memref<10112x128xf32, #tpu.memory_space<vmem_shared>> -> memref<128x128xf32, #tpu.memory_space<vmem_shared>>
      %dma_wait3A_102 = arith.constant 0 : i32
      %dma_wait3A_103 = tpu.memref_slice %arg9[%add3A_14, %dma_wait3A_102] : memref<10112x128xf32, #tpu.memory_space<vmem_shared>> -> memref<128x128xf32, #tpu.memory_space<vmem_shared>>
      %dma_wait3A_104 = arith.constant 0 : i32
      %dma_wait3A_105 = arith.constant 0 : i32
      %dma_wait3A_106 = tpu.memref_slice %arg8[%dma_wait3A_104, %dma_wait3A_105] : memref<128x128xf32, #tpu.memory_space<vmem>> -> memref<128x128xf32, #tpu.memory_space<vmem>>
      tpu.wait_dma2 semaphore(%run_scoped3A : memref<!tpu.dma_semaphore, #tpu.memory_space<semaphore_mem>>) src(%dma_wait3A_106 : memref<128x128xf32, #tpu.memory_space<vmem>>) dst(%dma_wait3A_103 : memref<128x128xf32, #tpu.memory_space<vmem_shared>>)
      tpu.yield
    }) : () -> ()
    %mul3A_15 = arith.constant 632 : i32
    %mul3A_16 = arith.muli %arg1, %mul3A_15 : i32
    %add3A_17 = arith.constant 256 : i32
    %add3A_18 = arith.addi %mul3A_16, %add3A_17 : i32
    "tpu.region"() ({
      %run_scoped3A = tpu.sem_alloc : memref<!tpu.dma_semaphore, #tpu.memory_space<semaphore_mem>>
      %dma_start3A = arith.constant 0 : i32
      %dma_start3A_89 = arith.constant 0 : i32
      %dma_start3A_90 = tpu.memref_slice %arg8[%dma_start3A, %dma_start3A_89] : memref<128x128xf32, #tpu.memory_space<vmem>> -> memref<128x128xf32, #tpu.memory_space<vmem>>
      %dma_start3A_91 = arith.constant 0 : i32
      %dma_start3A_92 = tpu.memref_slice %arg9[%add3A_18, %dma_start3A_91] : memref<10112x128xf32, #tpu.memory_space<vmem_shared>> -> memref<128x128xf32, #tpu.memory_space<vmem_shared>>
      %dma_start3A_93 = arith.constant 0 : i32
      %dma_start3A_94 = tpu.memref_slice %arg9[%add3A_18, %dma_start3A_93] : memref<10112x128xf32, #tpu.memory_space<vmem_shared>> -> memref<128x128xf32, #tpu.memory_space<vmem_shared>>
      %dma_start3A_95 = arith.constant 0 : i32
      %dma_start3A_96 = arith.constant 0 : i32
      %dma_start3A_97 = tpu.memref_slice %arg8[%dma_start3A_95, %dma_start3A_96] : memref<128x128xf32, #tpu.memory_space<vmem>> -> memref<128x128xf32, #tpu.memory_space<vmem>>
      tpu.enqueue_dma source(%dma_start3A_97 : memref<128x128xf32, #tpu.memory_space<vmem>>) target(%dma_start3A_94 : memref<128x128xf32, #tpu.memory_space<vmem_shared>>) target_semaphore(%run_scoped3A : memref<!tpu.dma_semaphore, #tpu.memory_space<semaphore_mem>>)
      %dma_wait3A = arith.constant 0 : i32
      %dma_wait3A_98 = arith.constant 0 : i32
      %dma_wait3A_99 = tpu.memref_slice %arg8[%dma_wait3A, %dma_wait3A_98] : memref<128x128xf32, #tpu.memory_space<vmem>> -> memref<128x128xf32, #tpu.memory_space<vmem>>
      %dma_wait3A_100 = arith.constant 0 : i32
      %dma_wait3A_101 = tpu.memref_slice %arg9[%add3A_18, %dma_wait3A_100] : memref<10112x128xf32, #tpu.memory_space<vmem_shared>> -> memref<128x128xf32, #tpu.memory_space<vmem_shared>>
      %dma_wait3A_102 = arith.constant 0 : i32
      %dma_wait3A_103 = tpu.memref_slice %arg9[%add3A_18, %dma_wait3A_102] : memref<10112x128xf32, #tpu.memory_space<vmem_shared>> -> memref<128x128xf32, #tpu.memory_space<vmem_shared>>
      %dma_wait3A_104 = arith.constant 0 : i32
      %dma_wait3A_105 = arith.constant 0 : i32
      %dma_wait3A_106 = tpu.memref_slice %arg8[%dma_wait3A_104, %dma_wait3A_105] : memref<128x128xf32, #tpu.memory_space<vmem>> -> memref<128x128xf32, #tpu.memory_space<vmem>>
      tpu.wait_dma2 semaphore(%run_scoped3A : memref<!tpu.dma_semaphore, #tpu.memory_space<semaphore_mem>>) src(%dma_wait3A_106 : memref<128x128xf32, #tpu.memory_space<vmem>>) dst(%dma_wait3A_103 : memref<128x128xf32, #tpu.memory_space<vmem_shared>>)
      tpu.yield
    }) : () -> ()
    %mul3A_19 = arith.constant 632 : i32
    %mul3A_20 = arith.muli %arg1, %mul3A_19 : i32
    %add3A_21 = arith.constant 384 : i32
    %add3A_22 = arith.addi %mul3A_20, %add3A_21 : i32
    "tpu.region"() ({
      %run_scoped3A = tpu.sem_alloc : memref<!tpu.dma_semaphore, #tpu.memory_space<semaphore_mem>>
      %dma_start3A = arith.constant 0 : i32
      %dma_start3A_89 = arith.constant 0 : i32
      %dma_start3A_90 = tpu.memref_slice %arg8[%dma_start3A, %dma_start3A_89] : memref<128x128xf32, #tpu.memory_space<vmem>> -> memref<128x128xf32, #tpu.memory_space<vmem>>
      %dma_start3A_91 = arith.constant 0 : i32
      %dma_start3A_92 = tpu.memref_slice %arg9[%add3A_22, %dma_start3A_91] : memref<10112x128xf32, #tpu.memory_space<vmem_shared>> -> memref<128x128xf32, #tpu.memory_space<vmem_shared>>
      %dma_start3A_93 = arith.constant 0 : i32
      %dma_start3A_94 = tpu.memref_slice %arg9[%add3A_22, %dma_start3A_93] : memref<10112x128xf32, #tpu.memory_space<vmem_shared>> -> memref<128x128xf32, #tpu.memory_space<vmem_shared>>
      %dma_start3A_95 = arith.constant 0 : i32
      %dma_start3A_96 = arith.constant 0 : i32
      %dma_start3A_97 = tpu.memref_slice %arg8[%dma_start3A_95, %dma_start3A_96] : memref<128x128xf32, #tpu.memory_space<vmem>> -> memref<128x128xf32, #tpu.memory_space<vmem>>
      tpu.enqueue_dma source(%dma_start3A_97 : memref<128x128xf32, #tpu.memory_space<vmem>>) target(%dma_start3A_94 : memref<128x128xf32, #tpu.memory_space<vmem_shared>>) target_semaphore(%run_scoped3A : memref<!tpu.dma_semaphore, #tpu.memory_space<semaphore_mem>>)
      %dma_wait3A = arith.constant 0 : i32
      %dma_wait3A_98 = arith.constant 0 : i32
      %dma_wait3A_99 = tpu.memref_slice %arg8[%dma_wait3A, %dma_wait3A_98] : memref<128x128xf32, #tpu.memory_space<vmem>> -> memref<128x128xf32, #tpu.memory_space<vmem>>
      %dma_wait3A_100 = arith.constant 0 : i32
      %dma_wait3A_101 = tpu.memref_slice %arg9[%add3A_22, %dma_wait3A_100] : memref<10112x128xf32, #tpu.memory_space<vmem_shared>> -> memref<128x128xf32, #tpu.memory_space<vmem_shared>>
      %dma_wait3A_102 = arith.constant 0 : i32
      %dma_wait3A_103 = tpu.memref_slice %arg9[%add3A_22, %dma_wait3A_102] : memref<10112x128xf32, #tpu.memory_space<vmem_shared>> -> memref<128x128xf32, #tpu.memory_space<vmem_shared>>
      %dma_wait3A_104 = arith.constant 0 : i32
      %dma_wait3A_105 = arith.constant 0 : i32
      %dma_wait3A_106 = tpu.memref_slice %arg8[%dma_wait3A_104, %dma_wait3A_105] : memref<128x128xf32, #tpu.memory_space<vmem>> -> memref<128x128xf32, #tpu.memory_space<vmem>>
      tpu.wait_dma2 semaphore(%run_scoped3A : memref<!tpu.dma_semaphore, #tpu.memory_space<semaphore_mem>>) src(%dma_wait3A_106 : memref<128x128xf32, #tpu.memory_space<vmem>>) dst(%dma_wait3A_103 : memref<128x128xf32, #tpu.memory_space<vmem_shared>>)
      tpu.yield
    }) : () -> ()
    %mul3A_23 = arith.constant 632 : i32
    %mul3A_24 = arith.muli %arg1, %mul3A_23 : i32
    %add3A_25 = arith.constant 512 : i32
    %add3A_26 = arith.addi %mul3A_24, %add3A_25 : i32
    "tpu.region"() ({
      %run_scoped3A = tpu.sem_alloc : memref<!tpu.dma_semaphore, #tpu.memory_space<semaphore_mem>>
      %dma_start3A = arith.constant 0 : i32
      %dma_start3A_89 = arith.constant 0 : i32
      %dma_start3A_90 = tpu.memref_slice %arg8[%dma_start3A, %dma_start3A_89] : memref<128x128xf32, #tpu.memory_space<vmem>> -> memref<120x128xf32, #tpu.memory_space<vmem>>
      %dma_start3A_91 = arith.constant 0 : i32
      %dma_start3A_92 = tpu.memref_slice %arg9[%add3A_26, %dma_start3A_91] : memref<10112x128xf32, #tpu.memory_space<vmem_shared>> -> memref<120x128xf32, #tpu.memory_space<vmem_shared>>
      %dma_start3A_93 = arith.constant 0 : i32
      %dma_start3A_94 = tpu.memref_slice %arg9[%add3A_26, %dma_start3A_93] : memref<10112x128xf32, #tpu.memory_space<vmem_shared>> -> memref<120x128xf32, #tpu.memory_space<vmem_shared>>
      %dma_start3A_95 = arith.constant 0 : i32
      %dma_start3A_96 = arith.constant 0 : i32
      %dma_start3A_97 = tpu.memref_slice %arg8[%dma_start3A_95, %dma_start3A_96] : memref<128x128xf32, #tpu.memory_space<vmem>> -> memref<120x128xf32, #tpu.memory_space<vmem>>
      tpu.enqueue_dma source(%dma_start3A_97 : memref<120x128xf32, #tpu.memory_space<vmem>>) target(%dma_start3A_94 : memref<120x128xf32, #tpu.memory_space<vmem_shared>>) target_semaphore(%run_scoped3A : memref<!tpu.dma_semaphore, #tpu.memory_space<semaphore_mem>>)
      %dma_wait3A = arith.constant 0 : i32
      %dma_wait3A_98 = arith.constant 0 : i32
      %dma_wait3A_99 = tpu.memref_slice %arg8[%dma_wait3A, %dma_wait3A_98] : memref<128x128xf32, #tpu.memory_space<vmem>> -> memref<120x128xf32, #tpu.memory_space<vmem>>
      %dma_wait3A_100 = arith.constant 0 : i32
      %dma_wait3A_101 = tpu.memref_slice %arg9[%add3A_26, %dma_wait3A_100] : memref<10112x128xf32, #tpu.memory_space<vmem_shared>> -> memref<120x128xf32, #tpu.memory_space<vmem_shared>>
      %dma_wait3A_102 = arith.constant 0 : i32
      %dma_wait3A_103 = tpu.memref_slice %arg9[%add3A_26, %dma_wait3A_102] : memref<10112x128xf32, #tpu.memory_space<vmem_shared>> -> memref<120x128xf32, #tpu.memory_space<vmem_shared>>
      %dma_wait3A_104 = arith.constant 0 : i32
      %dma_wait3A_105 = arith.constant 0 : i32
      %dma_wait3A_106 = tpu.memref_slice %arg8[%dma_wait3A_104, %dma_wait3A_105] : memref<128x128xf32, #tpu.memory_space<vmem>> -> memref<120x128xf32, #tpu.memory_space<vmem>>
      tpu.wait_dma2 semaphore(%run_scoped3A : memref<!tpu.dma_semaphore, #tpu.memory_space<semaphore_mem>>) src(%dma_wait3A_106 : memref<120x128xf32, #tpu.memory_space<vmem>>) dst(%dma_wait3A_103 : memref<120x128xf32, #tpu.memory_space<vmem_shared>>)
      tpu.yield
    }) : () -> ()
    %barrier3A = arith.constant 0 : index
    tpu.barrier barrier_id(%barrier3A)
    %scan3A_27 = arith.constant 0 : i32
    %scan3A_28 = arith.constant 0 : i32
    %scan3A_29 = arith.constant 79 : i32
    %scan3A_30 = arith.addi %scan3A_28, %scan3A_29 : i32
    %scan3A_31 = arith.constant 1 : i32
    scf.for %scan3A_89 = %scan3A_28 to %scan3A_30 step %scan3A_31  : i32 {
      "tpu.region"() ({
        %run_scoped3A = tpu.sem_alloc : memref<!tpu.dma_semaphore, #tpu.memory_space<semaphore_mem>>
        %dma_start3A_94 = arith.constant 0 : i32
        %dma_start3A_95 = tpu.memref_slice %arg2[%add3A, %scan3A_89, %dma_start3A_94] : memref<32x79x128xi32, #tpu.memory_space<hbm>> -> memref<1x1x128xi32, #tpu.memory_space<hbm>>
        %dma_start3A_96 = tpu.memref_squeeze %dma_start3A_95 : memref<1x1x128xi32, #tpu.memory_space<hbm>> -> memref<128xi32, #tpu.memory_space<hbm>>
        %dma_start3A_97 = arith.constant 0 : i32
        %dma_start3A_98 = tpu.memref_slice %arg2[%add3A, %scan3A_89, %dma_start3A_97] : memref<32x79x128xi32, #tpu.memory_space<hbm>> -> memref<1x1x128xi32, #tpu.memory_space<hbm>>
        %dma_start3A_99 = tpu.memref_squeeze %dma_start3A_98 : memref<1x1x128xi32, #tpu.memory_space<hbm>> -> memref<128xi32, #tpu.memory_space<hbm>>
        tpu.enqueue_dma source(%dma_start3A_99 : memref<128xi32, #tpu.memory_space<hbm>>) target(%arg6 : memref<128xi32, #tpu.memory_space<vmem>>) target_semaphore(%run_scoped3A : memref<!tpu.dma_semaphore, #tpu.memory_space<semaphore_mem>>)
        %dma_wait3A_100 = arith.constant 0 : i32
        %dma_wait3A_101 = tpu.memref_slice %arg2[%add3A, %scan3A_89, %dma_wait3A_100] : memref<32x79x128xi32, #tpu.memory_space<hbm>> -> memref<1x1x128xi32, #tpu.memory_space<hbm>>
        %dma_wait3A_102 = tpu.memref_squeeze %dma_wait3A_101 : memref<1x1x128xi32, #tpu.memory_space<hbm>> -> memref<128xi32, #tpu.memory_space<hbm>>
        %dma_wait3A_103 = arith.constant 0 : i32
        %dma_wait3A_104 = tpu.memref_slice %arg2[%add3A, %scan3A_89, %dma_wait3A_103] : memref<32x79x128xi32, #tpu.memory_space<hbm>> -> memref<1x1x128xi32, #tpu.memory_space<hbm>>
        %dma_wait3A_105 = tpu.memref_squeeze %dma_wait3A_104 : memref<1x1x128xi32, #tpu.memory_space<hbm>> -> memref<128xi32, #tpu.memory_space<hbm>>
        tpu.wait_dma2 semaphore(%run_scoped3A : memref<!tpu.dma_semaphore, #tpu.memory_space<semaphore_mem>>) src(%dma_wait3A_105 : memref<128xi32, #tpu.memory_space<hbm>>) dst(%arg6 : memref<128xi32, #tpu.memory_space<vmem>>)
        tpu.yield
      }) : () -> ()
      "tpu.region"() ({
        %run_scoped3A = tpu.sem_alloc : memref<!tpu.dma_semaphore, #tpu.memory_space<semaphore_mem>>
        %dma_start3A_94 = arith.constant 0 : i32
        %dma_start3A_95 = tpu.memref_slice %arg3[%add3A, %scan3A_89, %dma_start3A_94] : memref<32x79x128xi32, #tpu.memory_space<hbm>> -> memref<1x1x128xi32, #tpu.memory_space<hbm>>
        %dma_start3A_96 = tpu.memref_squeeze %dma_start3A_95 : memref<1x1x128xi32, #tpu.memory_space<hbm>> -> memref<128xi32, #tpu.memory_space<hbm>>
        %dma_start3A_97 = arith.constant 0 : i32
        %dma_start3A_98 = tpu.memref_slice %arg3[%add3A, %scan3A_89, %dma_start3A_97] : memref<32x79x128xi32, #tpu.memory_space<hbm>> -> memref<1x1x128xi32, #tpu.memory_space<hbm>>
        %dma_start3A_99 = tpu.memref_squeeze %dma_start3A_98 : memref<1x1x128xi32, #tpu.memory_space<hbm>> -> memref<128xi32, #tpu.memory_space<hbm>>
        tpu.enqueue_dma source(%dma_start3A_99 : memref<128xi32, #tpu.memory_space<hbm>>) target(%arg7 : memref<128xi32, #tpu.memory_space<vmem>>) target_semaphore(%run_scoped3A : memref<!tpu.dma_semaphore, #tpu.memory_space<semaphore_mem>>)
        %dma_wait3A_100 = arith.constant 0 : i32
        %dma_wait3A_101 = tpu.memref_slice %arg3[%add3A, %scan3A_89, %dma_wait3A_100] : memref<32x79x128xi32, #tpu.memory_space<hbm>> -> memref<1x1x128xi32, #tpu.memory_space<hbm>>
        %dma_wait3A_102 = tpu.memref_squeeze %dma_wait3A_101 : memref<1x1x128xi32, #tpu.memory_space<hbm>> -> memref<128xi32, #tpu.memory_space<hbm>>
        %dma_wait3A_103 = arith.constant 0 : i32
        %dma_wait3A_104 = tpu.memref_slice %arg3[%add3A, %scan3A_89, %dma_wait3A_103] : memref<32x79x128xi32, #tpu.memory_space<hbm>> -> memref<1x1x128xi32, #tpu.memory_space<hbm>>
        %dma_wait3A_105 = tpu.memref_squeeze %dma_wait3A_104 : memref<1x1x128xi32, #tpu.memory_space<hbm>> -> memref<128xi32, #tpu.memory_space<hbm>>
        tpu.wait_dma2 semaphore(%run_scoped3A : memref<!tpu.dma_semaphore, #tpu.memory_space<semaphore_mem>>) src(%dma_wait3A_105 : memref<128xi32, #tpu.memory_space<hbm>>) dst(%arg7 : memref<128xi32, #tpu.memory_space<vmem>>)
        tpu.yield
      }) : () -> ()
      %dma_start3A = arith.constant 0 : i32
      %dma_start3A_90 = arith.constant 0 : i32
      %dma_start3A_91 = tpu.memref_slice %arg4[%dma_start3A, %dma_start3A_90] : memref<10112x128xf32, #tpu.memory_space<hbm>> -> memref<10112x128xf32, #tpu.memory_space<hbm>>
      tpu.enqueue_indirect_dma source(%dma_start3A_91 : memref<10112x128xf32, #tpu.memory_space<hbm>>) target(%arg8 : memref<128x128xf32, #tpu.memory_space<vmem>>) offsets(%arg6 : memref<128xi32, #tpu.memory_space<vmem>>) semaphore(%arg10 : memref<!tpu.dma_semaphore, #tpu.memory_space<semaphore_mem>>)
      %dma_wait3A = arith.constant 0 : i32
      %dma_wait3A_92 = arith.constant 0 : i32
      %dma_wait3A_93 = tpu.memref_slice %arg4[%dma_wait3A, %dma_wait3A_92] : memref<10112x128xf32, #tpu.memory_space<hbm>> -> memref<10112x128xf32, #tpu.memory_space<hbm>>
      tpu.wait_indirect_dma semaphore(%arg10 : memref<!tpu.dma_semaphore, #tpu.memory_space<semaphore_mem>>) src(%dma_wait3A_93 : memref<10112x128xf32, #tpu.memory_space<hbm>>) dst(%arg8 : memref<128x128xf32, #tpu.memory_space<vmem>>)
      "tpu.region"() ({
        %run_scoped3A = tpu.sem_alloc : memref<!tpu.dma_semaphore, #tpu.memory_space<semaphore_mem>>
        %dma_start3A_94 = arith.constant 0 : i32
        %dma_start3A_95 = arith.constant 0 : i32
        %dma_start3A_96 = tpu.memref_slice %arg9[%dma_start3A_94, %dma_start3A_95] : memref<10112x128xf32, #tpu.memory_space<vmem_shared>> -> memref<10112x128xf32, #tpu.memory_space<vmem_shared>>
        tpu.enqueue_indirect_dma source(%arg8 : memref<128x128xf32, #tpu.memory_space<vmem>>) target(%dma_start3A_96 : memref<10112x128xf32, #tpu.memory_space<vmem_shared>>) offsets(%arg7 : memref<128xi32, #tpu.memory_space<vmem>>) semaphore(%run_scoped3A : memref<!tpu.dma_semaphore, #tpu.memory_space<semaphore_mem>>) {add = true}
        %dma_wait3A_97 = arith.constant 0 : i32
        %dma_wait3A_98 = arith.constant 0 : i32
        %dma_wait3A_99 = tpu.memref_slice %arg9[%dma_wait3A_97, %dma_wait3A_98] : memref<10112x128xf32, #tpu.memory_space<vmem_shared>> -> memref<10112x128xf32, #tpu.memory_space<vmem_shared>>
        tpu.wait_indirect_dma semaphore(%run_scoped3A : memref<!tpu.dma_semaphore, #tpu.memory_space<semaphore_mem>>) src(%arg8 : memref<128x128xf32, #tpu.memory_space<vmem>>) dst(%dma_wait3A_99 : memref<10112x128xf32, #tpu.memory_space<vmem_shared>>)
        tpu.yield
      }) : () -> ()
    }
    %scan3A_32 = arith.constant 79 : i32
    %barrier3A_33 = arith.constant 0 : index
    tpu.barrier barrier_id(%barrier3A_33)
    %mul3A_34 = arith.constant 632 : i32
    %mul3A_35 = arith.muli %arg1, %mul3A_34 : i32
    %add3A_36 = arith.constant 0 : i32
    %add3A_37 = arith.addi %mul3A_35, %add3A_36 : i32
    "tpu.region"() ({
      %run_scoped3A = tpu.sem_alloc : memref<!tpu.dma_semaphore, #tpu.memory_space<semaphore_mem>>
      %dma_start3A = arith.constant 0 : i32
      %dma_start3A_89 = arith.constant 0 : i32
      %dma_start3A_90 = tpu.memref_slice %arg8[%dma_start3A, %dma_start3A_89] : memref<128x128xf32, #tpu.memory_space<vmem>> -> memref<128x128xf32, #tpu.memory_space<vmem>>
      %dma_start3A_91 = arith.constant 0 : i32
      %dma_start3A_92 = tpu.memref_slice %arg9[%add3A_37, %dma_start3A_91] : memref<10112x128xf32, #tpu.memory_space<vmem_shared>> -> memref<128x128xf32, #tpu.memory_space<vmem_shared>>
      %dma_start3A_93 = arith.constant 0 : i32
      %dma_start3A_94 = arith.constant 0 : i32
      %dma_start3A_95 = tpu.memref_slice %arg8[%dma_start3A_93, %dma_start3A_94] : memref<128x128xf32, #tpu.memory_space<vmem>> -> memref<128x128xf32, #tpu.memory_space<vmem>>
      %dma_start3A_96 = arith.constant 0 : i32
      %dma_start3A_97 = tpu.memref_slice %arg9[%add3A_37, %dma_start3A_96] : memref<10112x128xf32, #tpu.memory_space<vmem_shared>> -> memref<128x128xf32, #tpu.memory_space<vmem_shared>>
      tpu.enqueue_dma source(%dma_start3A_97 : memref<128x128xf32, #tpu.memory_space<vmem_shared>>) target(%dma_start3A_95 : memref<128x128xf32, #tpu.memory_space<vmem>>) target_semaphore(%run_scoped3A : memref<!tpu.dma_semaphore, #tpu.memory_space<semaphore_mem>>)
      %dma_wait3A = arith.constant 0 : i32
      %dma_wait3A_98 = arith.constant 0 : i32
      %dma_wait3A_99 = tpu.memref_slice %arg8[%dma_wait3A, %dma_wait3A_98] : memref<128x128xf32, #tpu.memory_space<vmem>> -> memref<128x128xf32, #tpu.memory_space<vmem>>
      %dma_wait3A_100 = arith.constant 0 : i32
      %dma_wait3A_101 = tpu.memref_slice %arg9[%add3A_37, %dma_wait3A_100] : memref<10112x128xf32, #tpu.memory_space<vmem_shared>> -> memref<128x128xf32, #tpu.memory_space<vmem_shared>>
      %dma_wait3A_102 = arith.constant 0 : i32
      %dma_wait3A_103 = arith.constant 0 : i32
      %dma_wait3A_104 = tpu.memref_slice %arg8[%dma_wait3A_102, %dma_wait3A_103] : memref<128x128xf32, #tpu.memory_space<vmem>> -> memref<128x128xf32, #tpu.memory_space<vmem>>
      %dma_wait3A_105 = arith.constant 0 : i32
      %dma_wait3A_106 = tpu.memref_slice %arg9[%add3A_37, %dma_wait3A_105] : memref<10112x128xf32, #tpu.memory_space<vmem_shared>> -> memref<128x128xf32, #tpu.memory_space<vmem_shared>>
      tpu.wait_dma2 semaphore(%run_scoped3A : memref<!tpu.dma_semaphore, #tpu.memory_space<semaphore_mem>>) src(%dma_wait3A_106 : memref<128x128xf32, #tpu.memory_space<vmem_shared>>) dst(%dma_wait3A_104 : memref<128x128xf32, #tpu.memory_space<vmem>>)
      tpu.yield
    }) : () -> ()
    %mul3A_38 = arith.constant 10112 : i32
    %mul3A_39 = arith.muli %arg0, %mul3A_38 : i32
    %mul3A_40 = arith.constant 632 : i32
    %mul3A_41 = arith.muli %arg1, %mul3A_40 : i32
    %add3A_42 = arith.addi %mul3A_39, %mul3A_41 : i32
    %add3A_43 = arith.constant 0 : i32
    %add3A_44 = arith.addi %add3A_42, %add3A_43 : i32
    "tpu.region"() ({
      %run_scoped3A = tpu.sem_alloc : memref<!tpu.dma_semaphore, #tpu.memory_space<semaphore_mem>>
      %dma_start3A = arith.constant 0 : i32
      %dma_start3A_89 = arith.constant 0 : i32
      %dma_start3A_90 = tpu.memref_slice %arg8[%dma_start3A, %dma_start3A_89] : memref<128x128xf32, #tpu.memory_space<vmem>> -> memref<128x128xf32, #tpu.memory_space<vmem>>
      %dma_start3A_91 = arith.constant 0 : i32
      %dma_start3A_92 = tpu.memref_slice %arg5[%add3A_44, %dma_start3A_91] : memref<20224x128xf32, #tpu.memory_space<hbm>> -> memref<128x128xf32, #tpu.memory_space<hbm>>
      %dma_start3A_93 = arith.constant 0 : i32
      %dma_start3A_94 = tpu.memref_slice %arg5[%add3A_44, %dma_start3A_93] : memref<20224x128xf32, #tpu.memory_space<hbm>> -> memref<128x128xf32, #tpu.memory_space<hbm>>
      %dma_start3A_95 = arith.constant 0 : i32
      %dma_start3A_96 = arith.constant 0 : i32
      %dma_start3A_97 = tpu.memref_slice %arg8[%dma_start3A_95, %dma_start3A_96] : memref<128x128xf32, #tpu.memory_space<vmem>> -> memref<128x128xf32, #tpu.memory_space<vmem>>
      tpu.enqueue_dma source(%dma_start3A_97 : memref<128x128xf32, #tpu.memory_space<vmem>>) target(%dma_start3A_94 : memref<128x128xf32, #tpu.memory_space<hbm>>) target_semaphore(%run_scoped3A : memref<!tpu.dma_semaphore, #tpu.memory_space<semaphore_mem>>)
      %dma_wait3A = arith.constant 0 : i32
      %dma_wait3A_98 = arith.constant 0 : i32
      %dma_wait3A_99 = tpu.memref_slice %arg8[%dma_wait3A, %dma_wait3A_98] : memref<128x128xf32, #tpu.memory_space<vmem>> -> memref<128x128xf32, #tpu.memory_space<vmem>>
      %dma_wait3A_100 = arith.constant 0 : i32
      %dma_wait3A_101 = tpu.memref_slice %arg5[%add3A_44, %dma_wait3A_100] : memref<20224x128xf32, #tpu.memory_space<hbm>> -> memref<128x128xf32, #tpu.memory_space<hbm>>
      %dma_wait3A_102 = arith.constant 0 : i32
      %dma_wait3A_103 = tpu.memref_slice %arg5[%add3A_44, %dma_wait3A_102] : memref<20224x128xf32, #tpu.memory_space<hbm>> -> memref<128x128xf32, #tpu.memory_space<hbm>>
      %dma_wait3A_104 = arith.constant 0 : i32
      %dma_wait3A_105 = arith.constant 0 : i32
      %dma_wait3A_106 = tpu.memref_slice %arg8[%dma_wait3A_104, %dma_wait3A_105] : memref<128x128xf32, #tpu.memory_space<vmem>> -> memref<128x128xf32, #tpu.memory_space<vmem>>
      tpu.wait_dma2 semaphore(%run_scoped3A : memref<!tpu.dma_semaphore, #tpu.memory_space<semaphore_mem>>) src(%dma_wait3A_106 : memref<128x128xf32, #tpu.memory_space<vmem>>) dst(%dma_wait3A_103 : memref<128x128xf32, #tpu.memory_space<hbm>>)
      tpu.yield
    }) : () -> ()
    %mul3A_45 = arith.constant 632 : i32
    %mul3A_46 = arith.muli %arg1, %mul3A_45 : i32
    %add3A_47 = arith.constant 128 : i32
    %add3A_48 = arith.addi %mul3A_46, %add3A_47 : i32
    "tpu.region"() ({
      %run_scoped3A = tpu.sem_alloc : memref<!tpu.dma_semaphore, #tpu.memory_space<semaphore_mem>>
      %dma_start3A = arith.constant 0 : i32
      %dma_start3A_89 = arith.constant 0 : i32
      %dma_start3A_90 = tpu.memref_slice %arg8[%dma_start3A, %dma_start3A_89] : memref<128x128xf32, #tpu.memory_space<vmem>> -> memref<128x128xf32, #tpu.memory_space<vmem>>
      %dma_start3A_91 = arith.constant 0 : i32
      %dma_start3A_92 = tpu.memref_slice %arg9[%add3A_48, %dma_start3A_91] : memref<10112x128xf32, #tpu.memory_space<vmem_shared>> -> memref<128x128xf32, #tpu.memory_space<vmem_shared>>
      %dma_start3A_93 = arith.constant 0 : i32
      %dma_start3A_94 = arith.constant 0 : i32
      %dma_start3A_95 = tpu.memref_slice %arg8[%dma_start3A_93, %dma_start3A_94] : memref<128x128xf32, #tpu.memory_space<vmem>> -> memref<128x128xf32, #tpu.memory_space<vmem>>
      %dma_start3A_96 = arith.constant 0 : i32
      %dma_start3A_97 = tpu.memref_slice %arg9[%add3A_48, %dma_start3A_96] : memref<10112x128xf32, #tpu.memory_space<vmem_shared>> -> memref<128x128xf32, #tpu.memory_space<vmem_shared>>
      tpu.enqueue_dma source(%dma_start3A_97 : memref<128x128xf32, #tpu.memory_space<vmem_shared>>) target(%dma_start3A_95 : memref<128x128xf32, #tpu.memory_space<vmem>>) target_semaphore(%run_scoped3A : memref<!tpu.dma_semaphore, #tpu.memory_space<semaphore_mem>>)
      %dma_wait3A = arith.constant 0 : i32
      %dma_wait3A_98 = arith.constant 0 : i32
      %dma_wait3A_99 = tpu.memref_slice %arg8[%dma_wait3A, %dma_wait3A_98] : memref<128x128xf32, #tpu.memory_space<vmem>> -> memref<128x128xf32, #tpu.memory_space<vmem>>
      %dma_wait3A_100 = arith.constant 0 : i32
      %dma_wait3A_101 = tpu.memref_slice %arg9[%add3A_48, %dma_wait3A_100] : memref<10112x128xf32, #tpu.memory_space<vmem_shared>> -> memref<128x128xf32, #tpu.memory_space<vmem_shared>>
      %dma_wait3A_102 = arith.constant 0 : i32
      %dma_wait3A_103 = arith.constant 0 : i32
      %dma_wait3A_104 = tpu.memref_slice %arg8[%dma_wait3A_102, %dma_wait3A_103] : memref<128x128xf32, #tpu.memory_space<vmem>> -> memref<128x128xf32, #tpu.memory_space<vmem>>
      %dma_wait3A_105 = arith.constant 0 : i32
      %dma_wait3A_106 = tpu.memref_slice %arg9[%add3A_48, %dma_wait3A_105] : memref<10112x128xf32, #tpu.memory_space<vmem_shared>> -> memref<128x128xf32, #tpu.memory_space<vmem_shared>>
      tpu.wait_dma2 semaphore(%run_scoped3A : memref<!tpu.dma_semaphore, #tpu.memory_space<semaphore_mem>>) src(%dma_wait3A_106 : memref<128x128xf32, #tpu.memory_space<vmem_shared>>) dst(%dma_wait3A_104 : memref<128x128xf32, #tpu.memory_space<vmem>>)
      tpu.yield
    }) : () -> ()
    %mul3A_49 = arith.constant 10112 : i32
    %mul3A_50 = arith.muli %arg0, %mul3A_49 : i32
    %mul3A_51 = arith.constant 632 : i32
    %mul3A_52 = arith.muli %arg1, %mul3A_51 : i32
    %add3A_53 = arith.addi %mul3A_50, %mul3A_52 : i32
    %add3A_54 = arith.constant 128 : i32
    %add3A_55 = arith.addi %add3A_53, %add3A_54 : i32
    "tpu.region"() ({
      %run_scoped3A = tpu.sem_alloc : memref<!tpu.dma_semaphore, #tpu.memory_space<semaphore_mem>>
      %dma_start3A = arith.constant 0 : i32
      %dma_start3A_89 = arith.constant 0 : i32
      %dma_start3A_90 = tpu.memref_slice %arg8[%dma_start3A, %dma_start3A_89] : memref<128x128xf32, #tpu.memory_space<vmem>> -> memref<128x128xf32, #tpu.memory_space<vmem>>
      %dma_start3A_91 = arith.constant 0 : i32
      %dma_start3A_92 = tpu.memref_slice %arg5[%add3A_55, %dma_start3A_91] : memref<20224x128xf32, #tpu.memory_space<hbm>> -> memref<128x128xf32, #tpu.memory_space<hbm>>
      %dma_start3A_93 = arith.constant 0 : i32
      %dma_start3A_94 = tpu.memref_slice %arg5[%add3A_55, %dma_start3A_93] : memref<20224x128xf32, #tpu.memory_space<hbm>> -> memref<128x128xf32, #tpu.memory_space<hbm>>
      %dma_start3A_95 = arith.constant 0 : i32
      %dma_start3A_96 = arith.constant 0 : i32
      %dma_start3A_97 = tpu.memref_slice %arg8[%dma_start3A_95, %dma_start3A_96] : memref<128x128xf32, #tpu.memory_space<vmem>> -> memref<128x128xf32, #tpu.memory_space<vmem>>
      tpu.enqueue_dma source(%dma_start3A_97 : memref<128x128xf32, #tpu.memory_space<vmem>>) target(%dma_start3A_94 : memref<128x128xf32, #tpu.memory_space<hbm>>) target_semaphore(%run_scoped3A : memref<!tpu.dma_semaphore, #tpu.memory_space<semaphore_mem>>)
      %dma_wait3A = arith.constant 0 : i32
      %dma_wait3A_98 = arith.constant 0 : i32
      %dma_wait3A_99 = tpu.memref_slice %arg8[%dma_wait3A, %dma_wait3A_98] : memref<128x128xf32, #tpu.memory_space<vmem>> -> memref<128x128xf32, #tpu.memory_space<vmem>>
      %dma_wait3A_100 = arith.constant 0 : i32
      %dma_wait3A_101 = tpu.memref_slice %arg5[%add3A_55, %dma_wait3A_100] : memref<20224x128xf32, #tpu.memory_space<hbm>> -> memref<128x128xf32, #tpu.memory_space<hbm>>
      %dma_wait3A_102 = arith.constant 0 : i32
      %dma_wait3A_103 = tpu.memref_slice %arg5[%add3A_55, %dma_wait3A_102] : memref<20224x128xf32, #tpu.memory_space<hbm>> -> memref<128x128xf32, #tpu.memory_space<hbm>>
      %dma_wait3A_104 = arith.constant 0 : i32
      %dma_wait3A_105 = arith.constant 0 : i32
      %dma_wait3A_106 = tpu.memref_slice %arg8[%dma_wait3A_104, %dma_wait3A_105] : memref<128x128xf32, #tpu.memory_space<vmem>> -> memref<128x128xf32, #tpu.memory_space<vmem>>
      tpu.wait_dma2 semaphore(%run_scoped3A : memref<!tpu.dma_semaphore, #tpu.memory_space<semaphore_mem>>) src(%dma_wait3A_106 : memref<128x128xf32, #tpu.memory_space<vmem>>) dst(%dma_wait3A_103 : memref<128x128xf32, #tpu.memory_space<hbm>>)
      tpu.yield
    }) : () -> ()
    %mul3A_56 = arith.constant 632 : i32
    %mul3A_57 = arith.muli %arg1, %mul3A_56 : i32
    %add3A_58 = arith.constant 256 : i32
    %add3A_59 = arith.addi %mul3A_57, %add3A_58 : i32
    "tpu.region"() ({
      %run_scoped3A = tpu.sem_alloc : memref<!tpu.dma_semaphore, #tpu.memory_space<semaphore_mem>>
      %dma_start3A = arith.constant 0 : i32
      %dma_start3A_89 = arith.constant 0 : i32
      %dma_start3A_90 = tpu.memref_slice %arg8[%dma_start3A, %dma_start3A_89] : memref<128x128xf32, #tpu.memory_space<vmem>> -> memref<128x128xf32, #tpu.memory_space<vmem>>
      %dma_start3A_91 = arith.constant 0 : i32
      %dma_start3A_92 = tpu.memref_slice %arg9[%add3A_59, %dma_start3A_91] : memref<10112x128xf32, #tpu.memory_space<vmem_shared>> -> memref<128x128xf32, #tpu.memory_space<vmem_shared>>
      %dma_start3A_93 = arith.constant 0 : i32
      %dma_start3A_94 = arith.constant 0 : i32
      %dma_start3A_95 = tpu.memref_slice %arg8[%dma_start3A_93, %dma_start3A_94] : memref<128x128xf32, #tpu.memory_space<vmem>> -> memref<128x128xf32, #tpu.memory_space<vmem>>
      %dma_start3A_96 = arith.constant 0 : i32
      %dma_start3A_97 = tpu.memref_slice %arg9[%add3A_59, %dma_start3A_96] : memref<10112x128xf32, #tpu.memory_space<vmem_shared>> -> memref<128x128xf32, #tpu.memory_space<vmem_shared>>
      tpu.enqueue_dma source(%dma_start3A_97 : memref<128x128xf32, #tpu.memory_space<vmem_shared>>) target(%dma_start3A_95 : memref<128x128xf32, #tpu.memory_space<vmem>>) target_semaphore(%run_scoped3A : memref<!tpu.dma_semaphore, #tpu.memory_space<semaphore_mem>>)
      %dma_wait3A = arith.constant 0 : i32
      %dma_wait3A_98 = arith.constant 0 : i32
      %dma_wait3A_99 = tpu.memref_slice %arg8[%dma_wait3A, %dma_wait3A_98] : memref<128x128xf32, #tpu.memory_space<vmem>> -> memref<128x128xf32, #tpu.memory_space<vmem>>
      %dma_wait3A_100 = arith.constant 0 : i32
      %dma_wait3A_101 = tpu.memref_slice %arg9[%add3A_59, %dma_wait3A_100] : memref<10112x128xf32, #tpu.memory_space<vmem_shared>> -> memref<128x128xf32, #tpu.memory_space<vmem_shared>>
      %dma_wait3A_102 = arith.constant 0 : i32
      %dma_wait3A_103 = arith.constant 0 : i32
      %dma_wait3A_104 = tpu.memref_slice %arg8[%dma_wait3A_102, %dma_wait3A_103] : memref<128x128xf32, #tpu.memory_space<vmem>> -> memref<128x128xf32, #tpu.memory_space<vmem>>
      %dma_wait3A_105 = arith.constant 0 : i32
      %dma_wait3A_106 = tpu.memref_slice %arg9[%add3A_59, %dma_wait3A_105] : memref<10112x128xf32, #tpu.memory_space<vmem_shared>> -> memref<128x128xf32, #tpu.memory_space<vmem_shared>>
      tpu.wait_dma2 semaphore(%run_scoped3A : memref<!tpu.dma_semaphore, #tpu.memory_space<semaphore_mem>>) src(%dma_wait3A_106 : memref<128x128xf32, #tpu.memory_space<vmem_shared>>) dst(%dma_wait3A_104 : memref<128x128xf32, #tpu.memory_space<vmem>>)
      tpu.yield
    }) : () -> ()
    %mul3A_60 = arith.constant 10112 : i32
    %mul3A_61 = arith.muli %arg0, %mul3A_60 : i32
    %mul3A_62 = arith.constant 632 : i32
    %mul3A_63 = arith.muli %arg1, %mul3A_62 : i32
    %add3A_64 = arith.addi %mul3A_61, %mul3A_63 : i32
    %add3A_65 = arith.constant 256 : i32
    %add3A_66 = arith.addi %add3A_64, %add3A_65 : i32
    "tpu.region"() ({
      %run_scoped3A = tpu.sem_alloc : memref<!tpu.dma_semaphore, #tpu.memory_space<semaphore_mem>>
      %dma_start3A = arith.constant 0 : i32
      %dma_start3A_89 = arith.constant 0 : i32
      %dma_start3A_90 = tpu.memref_slice %arg8[%dma_start3A, %dma_start3A_89] : memref<128x128xf32, #tpu.memory_space<vmem>> -> memref<128x128xf32, #tpu.memory_space<vmem>>
      %dma_start3A_91 = arith.constant 0 : i32
      %dma_start3A_92 = tpu.memref_slice %arg5[%add3A_66, %dma_start3A_91] : memref<20224x128xf32, #tpu.memory_space<hbm>> -> memref<128x128xf32, #tpu.memory_space<hbm>>
      %dma_start3A_93 = arith.constant 0 : i32
      %dma_start3A_94 = tpu.memref_slice %arg5[%add3A_66, %dma_start3A_93] : memref<20224x128xf32, #tpu.memory_space<hbm>> -> memref<128x128xf32, #tpu.memory_space<hbm>>
      %dma_start3A_95 = arith.constant 0 : i32
      %dma_start3A_96 = arith.constant 0 : i32
      %dma_start3A_97 = tpu.memref_slice %arg8[%dma_start3A_95, %dma_start3A_96] : memref<128x128xf32, #tpu.memory_space<vmem>> -> memref<128x128xf32, #tpu.memory_space<vmem>>
      tpu.enqueue_dma source(%dma_start3A_97 : memref<128x128xf32, #tpu.memory_space<vmem>>) target(%dma_start3A_94 : memref<128x128xf32, #tpu.memory_space<hbm>>) target_semaphore(%run_scoped3A : memref<!tpu.dma_semaphore, #tpu.memory_space<semaphore_mem>>)
      %dma_wait3A = arith.constant 0 : i32
      %dma_wait3A_98 = arith.constant 0 : i32
      %dma_wait3A_99 = tpu.memref_slice %arg8[%dma_wait3A, %dma_wait3A_98] : memref<128x128xf32, #tpu.memory_space<vmem>> -> memref<128x128xf32, #tpu.memory_space<vmem>>
      %dma_wait3A_100 = arith.constant 0 : i32
      %dma_wait3A_101 = tpu.memref_slice %arg5[%add3A_66, %dma_wait3A_100] : memref<20224x128xf32, #tpu.memory_space<hbm>> -> memref<128x128xf32, #tpu.memory_space<hbm>>
      %dma_wait3A_102 = arith.constant 0 : i32
      %dma_wait3A_103 = tpu.memref_slice %arg5[%add3A_66, %dma_wait3A_102] : memref<20224x128xf32, #tpu.memory_space<hbm>> -> memref<128x128xf32, #tpu.memory_space<hbm>>
      %dma_wait3A_104 = arith.constant 0 : i32
      %dma_wait3A_105 = arith.constant 0 : i32
      %dma_wait3A_106 = tpu.memref_slice %arg8[%dma_wait3A_104, %dma_wait3A_105] : memref<128x128xf32, #tpu.memory_space<vmem>> -> memref<128x128xf32, #tpu.memory_space<vmem>>
      tpu.wait_dma2 semaphore(%run_scoped3A : memref<!tpu.dma_semaphore, #tpu.memory_space<semaphore_mem>>) src(%dma_wait3A_106 : memref<128x128xf32, #tpu.memory_space<vmem>>) dst(%dma_wait3A_103 : memref<128x128xf32, #tpu.memory_space<hbm>>)
      tpu.yield
    }) : () -> ()
    %mul3A_67 = arith.constant 632 : i32
    %mul3A_68 = arith.muli %arg1, %mul3A_67 : i32
    %add3A_69 = arith.constant 384 : i32
    %add3A_70 = arith.addi %mul3A_68, %add3A_69 : i32
    "tpu.region"() ({
      %run_scoped3A = tpu.sem_alloc : memref<!tpu.dma_semaphore, #tpu.memory_space<semaphore_mem>>
      %dma_start3A = arith.constant 0 : i32
      %dma_start3A_89 = arith.constant 0 : i32
      %dma_start3A_90 = tpu.memref_slice %arg8[%dma_start3A, %dma_start3A_89] : memref<128x128xf32, #tpu.memory_space<vmem>> -> memref<128x128xf32, #tpu.memory_space<vmem>>
      %dma_start3A_91 = arith.constant 0 : i32
      %dma_start3A_92 = tpu.memref_slice %arg9[%add3A_70, %dma_start3A_91] : memref<10112x128xf32, #tpu.memory_space<vmem_shared>> -> memref<128x128xf32, #tpu.memory_space<vmem_shared>>
      %dma_start3A_93 = arith.constant 0 : i32
      %dma_start3A_94 = arith.constant 0 : i32
      %dma_start3A_95 = tpu.memref_slice %arg8[%dma_start3A_93, %dma_start3A_94] : memref<128x128xf32, #tpu.memory_space<vmem>> -> memref<128x128xf32, #tpu.memory_space<vmem>>
      %dma_start3A_96 = arith.constant 0 : i32
      %dma_start3A_97 = tpu.memref_slice %arg9[%add3A_70, %dma_start3A_96] : memref<10112x128xf32, #tpu.memory_space<vmem_shared>> -> memref<128x128xf32, #tpu.memory_space<vmem_shared>>
      tpu.enqueue_dma source(%dma_start3A_97 : memref<128x128xf32, #tpu.memory_space<vmem_shared>>) target(%dma_start3A_95 : memref<128x128xf32, #tpu.memory_space<vmem>>) target_semaphore(%run_scoped3A : memref<!tpu.dma_semaphore, #tpu.memory_space<semaphore_mem>>)
      %dma_wait3A = arith.constant 0 : i32
      %dma_wait3A_98 = arith.constant 0 : i32
      %dma_wait3A_99 = tpu.memref_slice %arg8[%dma_wait3A, %dma_wait3A_98] : memref<128x128xf32, #tpu.memory_space<vmem>> -> memref<128x128xf32, #tpu.memory_space<vmem>>
      %dma_wait3A_100 = arith.constant 0 : i32
      %dma_wait3A_101 = tpu.memref_slice %arg9[%add3A_70, %dma_wait3A_100] : memref<10112x128xf32, #tpu.memory_space<vmem_shared>> -> memref<128x128xf32, #tpu.memory_space<vmem_shared>>
      %dma_wait3A_102 = arith.constant 0 : i32
      %dma_wait3A_103 = arith.constant 0 : i32
      %dma_wait3A_104 = tpu.memref_slice %arg8[%dma_wait3A_102, %dma_wait3A_103] : memref<128x128xf32, #tpu.memory_space<vmem>> -> memref<128x128xf32, #tpu.memory_space<vmem>>
      %dma_wait3A_105 = arith.constant 0 : i32
      %dma_wait3A_106 = tpu.memref_slice %arg9[%add3A_70, %dma_wait3A_105] : memref<10112x128xf32, #tpu.memory_space<vmem_shared>> -> memref<128x128xf32, #tpu.memory_space<vmem_shared>>
      tpu.wait_dma2 semaphore(%run_scoped3A : memref<!tpu.dma_semaphore, #tpu.memory_space<semaphore_mem>>) src(%dma_wait3A_106 : memref<128x128xf32, #tpu.memory_space<vmem_shared>>) dst(%dma_wait3A_104 : memref<128x128xf32, #tpu.memory_space<vmem>>)
      tpu.yield
    }) : () -> ()
    %mul3A_71 = arith.constant 10112 : i32
    %mul3A_72 = arith.muli %arg0, %mul3A_71 : i32
    %mul3A_73 = arith.constant 632 : i32
    %mul3A_74 = arith.muli %arg1, %mul3A_73 : i32
    %add3A_75 = arith.addi %mul3A_72, %mul3A_74 : i32
    %add3A_76 = arith.constant 384 : i32
    %add3A_77 = arith.addi %add3A_75, %add3A_76 : i32
    "tpu.region"() ({
      %run_scoped3A = tpu.sem_alloc : memref<!tpu.dma_semaphore, #tpu.memory_space<semaphore_mem>>
      %dma_start3A = arith.constant 0 : i32
      %dma_start3A_89 = arith.constant 0 : i32
      %dma_start3A_90 = tpu.memref_slice %arg8[%dma_start3A, %dma_start3A_89] : memref<128x128xf32, #tpu.memory_space<vmem>> -> memref<128x128xf32, #tpu.memory_space<vmem>>
      %dma_start3A_91 = arith.constant 0 : i32
      %dma_start3A_92 = tpu.memref_slice %arg5[%add3A_77, %dma_start3A_91] : memref<20224x128xf32, #tpu.memory_space<hbm>> -> memref<128x128xf32, #tpu.memory_space<hbm>>
      %dma_start3A_93 = arith.constant 0 : i32
      %dma_start3A_94 = tpu.memref_slice %arg5[%add3A_77, %dma_start3A_93] : memref<20224x128xf32, #tpu.memory_space<hbm>> -> memref<128x128xf32, #tpu.memory_space<hbm>>
      %dma_start3A_95 = arith.constant 0 : i32
      %dma_start3A_96 = arith.constant 0 : i32
      %dma_start3A_97 = tpu.memref_slice %arg8[%dma_start3A_95, %dma_start3A_96] : memref<128x128xf32, #tpu.memory_space<vmem>> -> memref<128x128xf32, #tpu.memory_space<vmem>>
      tpu.enqueue_dma source(%dma_start3A_97 : memref<128x128xf32, #tpu.memory_space<vmem>>) target(%dma_start3A_94 : memref<128x128xf32, #tpu.memory_space<hbm>>) target_semaphore(%run_scoped3A : memref<!tpu.dma_semaphore, #tpu.memory_space<semaphore_mem>>)
      %dma_wait3A = arith.constant 0 : i32
      %dma_wait3A_98 = arith.constant 0 : i32
      %dma_wait3A_99 = tpu.memref_slice %arg8[%dma_wait3A, %dma_wait3A_98] : memref<128x128xf32, #tpu.memory_space<vmem>> -> memref<128x128xf32, #tpu.memory_space<vmem>>
      %dma_wait3A_100 = arith.constant 0 : i32
      %dma_wait3A_101 = tpu.memref_slice %arg5[%add3A_77, %dma_wait3A_100] : memref<20224x128xf32, #tpu.memory_space<hbm>> -> memref<128x128xf32, #tpu.memory_space<hbm>>
      %dma_wait3A_102 = arith.constant 0 : i32
      %dma_wait3A_103 = tpu.memref_slice %arg5[%add3A_77, %dma_wait3A_102] : memref<20224x128xf32, #tpu.memory_space<hbm>> -> memref<128x128xf32, #tpu.memory_space<hbm>>
      %dma_wait3A_104 = arith.constant 0 : i32
      %dma_wait3A_105 = arith.constant 0 : i32
      %dma_wait3A_106 = tpu.memref_slice %arg8[%dma_wait3A_104, %dma_wait3A_105] : memref<128x128xf32, #tpu.memory_space<vmem>> -> memref<128x128xf32, #tpu.memory_space<vmem>>
      tpu.wait_dma2 semaphore(%run_scoped3A : memref<!tpu.dma_semaphore, #tpu.memory_space<semaphore_mem>>) src(%dma_wait3A_106 : memref<128x128xf32, #tpu.memory_space<vmem>>) dst(%dma_wait3A_103 : memref<128x128xf32, #tpu.memory_space<hbm>>)
      tpu.yield
    }) : () -> ()
    %mul3A_78 = arith.constant 632 : i32
    %mul3A_79 = arith.muli %arg1, %mul3A_78 : i32
    %add3A_80 = arith.constant 512 : i32
    %add3A_81 = arith.addi %mul3A_79, %add3A_80 : i32
    "tpu.region"() ({
      %run_scoped3A = tpu.sem_alloc : memref<!tpu.dma_semaphore, #tpu.memory_space<semaphore_mem>>
      %dma_start3A = arith.constant 0 : i32
      %dma_start3A_89 = arith.constant 0 : i32
      %dma_start3A_90 = tpu.memref_slice %arg8[%dma_start3A, %dma_start3A_89] : memref<128x128xf32, #tpu.memory_space<vmem>> -> memref<120x128xf32, #tpu.memory_space<vmem>>
      %dma_start3A_91 = arith.constant 0 : i32
      %dma_start3A_92 = tpu.memref_slice %arg9[%add3A_81, %dma_start3A_91] : memref<10112x128xf32, #tpu.memory_space<vmem_shared>> -> memref<120x128xf32, #tpu.memory_space<vmem_shared>>
      %dma_start3A_93 = arith.constant 0 : i32
      %dma_start3A_94 = arith.constant 0 : i32
      %dma_start3A_95 = tpu.memref_slice %arg8[%dma_start3A_93, %dma_start3A_94] : memref<128x128xf32, #tpu.memory_space<vmem>> -> memref<120x128xf32, #tpu.memory_space<vmem>>
      %dma_start3A_96 = arith.constant 0 : i32
      %dma_start3A_97 = tpu.memref_slice %arg9[%add3A_81, %dma_start3A_96] : memref<10112x128xf32, #tpu.memory_space<vmem_shared>> -> memref<120x128xf32, #tpu.memory_space<vmem_shared>>
      tpu.enqueue_dma source(%dma_start3A_97 : memref<120x128xf32, #tpu.memory_space<vmem_shared>>) target(%dma_start3A_95 : memref<120x128xf32, #tpu.memory_space<vmem>>) target_semaphore(%run_scoped3A : memref<!tpu.dma_semaphore, #tpu.memory_space<semaphore_mem>>)
      %dma_wait3A = arith.constant 0 : i32
      %dma_wait3A_98 = arith.constant 0 : i32
      %dma_wait3A_99 = tpu.memref_slice %arg8[%dma_wait3A, %dma_wait3A_98] : memref<128x128xf32, #tpu.memory_space<vmem>> -> memref<120x128xf32, #tpu.memory_space<vmem>>
      %dma_wait3A_100 = arith.constant 0 : i32
      %dma_wait3A_101 = tpu.memref_slice %arg9[%add3A_81, %dma_wait3A_100] : memref<10112x128xf32, #tpu.memory_space<vmem_shared>> -> memref<120x128xf32, #tpu.memory_space<vmem_shared>>
      %dma_wait3A_102 = arith.constant 0 : i32
      %dma_wait3A_103 = arith.constant 0 : i32
      %dma_wait3A_104 = tpu.memref_slice %arg8[%dma_wait3A_102, %dma_wait3A_103] : memref<128x128xf32, #tpu.memory_space<vmem>> -> memref<120x128xf32, #tpu.memory_space<vmem>>
      %dma_wait3A_105 = arith.constant 0 : i32
      %dma_wait3A_106 = tpu.memref_slice %arg9[%add3A_81, %dma_wait3A_105] : memref<10112x128xf32, #tpu.memory_space<vmem_shared>> -> memref<120x128xf32, #tpu.memory_space<vmem_shared>>
      tpu.wait_dma2 semaphore(%run_scoped3A : memref<!tpu.dma_semaphore, #tpu.memory_space<semaphore_mem>>) src(%dma_wait3A_106 : memref<120x128xf32, #tpu.memory_space<vmem_shared>>) dst(%dma_wait3A_104 : memref<120x128xf32, #tpu.memory_space<vmem>>)
      tpu.yield
    }) : () -> ()
    %mul3A_82 = arith.constant 10112 : i32
    %mul3A_83 = arith.muli %arg0, %mul3A_82 : i32
    %mul3A_84 = arith.constant 632 : i32
    %mul3A_85 = arith.muli %arg1, %mul3A_84 : i32
    %add3A_86 = arith.addi %mul3A_83, %mul3A_85 : i32
    %add3A_87 = arith.constant 512 : i32
    %add3A_88 = arith.addi %add3A_86, %add3A_87 : i32
    "tpu.region"() ({
      %run_scoped3A = tpu.sem_alloc : memref<!tpu.dma_semaphore, #tpu.memory_space<semaphore_mem>>
      %dma_start3A = arith.constant 0 : i32
      %dma_start3A_89 = arith.constant 0 : i32
      %dma_start3A_90 = tpu.memref_slice %arg8[%dma_start3A, %dma_start3A_89] : memref<128x128xf32, #tpu.memory_space<vmem>> -> memref<120x128xf32, #tpu.memory_space<vmem>>
      %dma_start3A_91 = arith.constant 0 : i32
      %dma_start3A_92 = tpu.memref_slice %arg5[%add3A_88, %dma_start3A_91] : memref<20224x128xf32, #tpu.memory_space<hbm>> -> memref<120x128xf32, #tpu.memory_space<hbm>>
      %dma_start3A_93 = arith.constant 0 : i32
      %dma_start3A_94 = tpu.memref_slice %arg5[%add3A_88, %dma_start3A_93] : memref<20224x128xf32, #tpu.memory_space<hbm>> -> memref<120x128xf32, #tpu.memory_space<hbm>>
      %dma_start3A_95 = arith.constant 0 : i32
      %dma_start3A_96 = arith.constant 0 : i32
      %dma_start3A_97 = tpu.memref_slice %arg8[%dma_start3A_95, %dma_start3A_96] : memref<128x128xf32, #tpu.memory_space<vmem>> -> memref<120x128xf32, #tpu.memory_space<vmem>>
      tpu.enqueue_dma source(%dma_start3A_97 : memref<120x128xf32, #tpu.memory_space<vmem>>) target(%dma_start3A_94 : memref<120x128xf32, #tpu.memory_space<hbm>>) target_semaphore(%run_scoped3A : memref<!tpu.dma_semaphore, #tpu.memory_space<semaphore_mem>>)
      %dma_wait3A = arith.constant 0 : i32
      %dma_wait3A_98 = arith.constant 0 : i32
      %dma_wait3A_99 = tpu.memref_slice %arg8[%dma_wait3A, %dma_wait3A_98] : memref<128x128xf32, #tpu.memory_space<vmem>> -> memref<120x128xf32, #tpu.memory_space<vmem>>
      %dma_wait3A_100 = arith.constant 0 : i32
      %dma_wait3A_101 = tpu.memref_slice %arg5[%add3A_88, %dma_wait3A_100] : memref<20224x128xf32, #tpu.memory_space<hbm>> -> memref<120x128xf32, #tpu.memory_space<hbm>>
      %dma_wait3A_102 = arith.constant 0 : i32
      %dma_wait3A_103 = tpu.memref_slice %arg5[%add3A_88, %dma_wait3A_102] : memref<20224x128xf32, #tpu.memory_space<hbm>> -> memref<120x128xf32, #tpu.memory_space<hbm>>
      %dma_wait3A_104 = arith.constant 0 : i32
      %dma_wait3A_105 = arith.constant 0 : i32
      %dma_wait3A_106 = tpu.memref_slice %arg8[%dma_wait3A_104, %dma_wait3A_105] : memref<128x128xf32, #tpu.memory_space<vmem>> -> memref<120x128xf32, #tpu.memory_space<vmem>>
      tpu.wait_dma2 semaphore(%run_scoped3A : memref<!tpu.dma_semaphore, #tpu.memory_space<semaphore_mem>>) src(%dma_wait3A_106 : memref<120x128xf32, #tpu.memory_space<vmem>>) dst(%dma_wait3A_103 : memref<120x128xf32, #tpu.memory_space<hbm>>)
      tpu.yield
    }) : () -> ()
    return
  }
}

#map = affine_map<(d0, d1) -> (0, 0, 0)>
#map1 = affine_map<(d0, d1) -> (0, 0)>
module attributes {stable_mosaic.version = 14 : i64} {
  func.func @body(%arg0: i32, %arg1: i32, %arg2: memref<32x10x128xi32, #tpu.memory_space<hbm>>, %arg3: memref<32x79x128xi32, #tpu.memory_space<hbm>>, %arg4: memref<100000x128xf32, #tpu.memory_space<hbm>>, %arg5: memref<40960x128xf32, #tpu.memory_space<hbm>>, %arg6: memref<32x79x128xf32, #tpu.memory_space<hbm>>, %arg7: memref<10x128xi32, #tpu.memory_space<vmem>>, %arg8: memref<128x128xf32, #tpu.memory_space<vmem>>, %arg9: memref<79x128xi32, #tpu.memory_space<vmem>>, %arg10: memref<79x128xf32, #tpu.memory_space<vmem>>, %arg11: memref<!tpu.dma_semaphore, #tpu.memory_space<semaphore_mem>>) attributes {dimension_semantics = [#tpu.dimension_semantics<core_parallel>, #tpu.dimension_semantics<subcore_parallel>], iteration_bounds = array<i64: 2, 16>, scalar_prefetch = 0 : i64, scratch_operands = 5 : i64, tpu.core_type = #tpu.core_type<sc_vector_subcore>, window_params = [{transform_indices = #map}, {transform_indices = #map}, {transform_indices = #map1}, {transform_indices = #map1}, {transform_indices = #map}]} {
    %mul3A = arith.constant 16 : i32
    %mul3A_0 = arith.muli %arg0, %mul3A : i32
    %add3A = arith.addi %mul3A_0, %arg1 : i32
    "tpu.region"() ({
      %run_scoped3A = tpu.sem_alloc : memref<!tpu.dma_semaphore, #tpu.memory_space<semaphore_mem>>
      %dma_start3A_213 = arith.constant 0 : i32
      %dma_start3A_214 = arith.constant 0 : i32
      %dma_start3A_215 = tpu.memref_slice %arg2[%add3A, %dma_start3A_213, %dma_start3A_214] : memref<32x10x128xi32, #tpu.memory_space<hbm>> -> memref<1x10x128xi32, #tpu.memory_space<hbm>>
      %dma_start3A_216 = tpu.memref_squeeze %dma_start3A_215 : memref<1x10x128xi32, #tpu.memory_space<hbm>> -> memref<10x128xi32, #tpu.memory_space<hbm>>
      %dma_start3A_217 = arith.constant 0 : i32
      %dma_start3A_218 = arith.constant 0 : i32
      %dma_start3A_219 = tpu.memref_slice %arg2[%add3A, %dma_start3A_217, %dma_start3A_218] : memref<32x10x128xi32, #tpu.memory_space<hbm>> -> memref<1x10x128xi32, #tpu.memory_space<hbm>>
      %dma_start3A_220 = tpu.memref_squeeze %dma_start3A_219 : memref<1x10x128xi32, #tpu.memory_space<hbm>> -> memref<10x128xi32, #tpu.memory_space<hbm>>
      tpu.enqueue_dma source(%dma_start3A_220 : memref<10x128xi32, #tpu.memory_space<hbm>>) target(%arg7 : memref<10x128xi32, #tpu.memory_space<vmem>>) target_semaphore(%run_scoped3A : memref<!tpu.dma_semaphore, #tpu.memory_space<semaphore_mem>>)
      %dma_wait3A_221 = arith.constant 0 : i32
      %dma_wait3A_222 = arith.constant 0 : i32
      %dma_wait3A_223 = tpu.memref_slice %arg2[%add3A, %dma_wait3A_221, %dma_wait3A_222] : memref<32x10x128xi32, #tpu.memory_space<hbm>> -> memref<1x10x128xi32, #tpu.memory_space<hbm>>
      %dma_wait3A_224 = tpu.memref_squeeze %dma_wait3A_223 : memref<1x10x128xi32, #tpu.memory_space<hbm>> -> memref<10x128xi32, #tpu.memory_space<hbm>>
      %dma_wait3A_225 = arith.constant 0 : i32
      %dma_wait3A_226 = arith.constant 0 : i32
      %dma_wait3A_227 = tpu.memref_slice %arg2[%add3A, %dma_wait3A_225, %dma_wait3A_226] : memref<32x10x128xi32, #tpu.memory_space<hbm>> -> memref<1x10x128xi32, #tpu.memory_space<hbm>>
      %dma_wait3A_228 = tpu.memref_squeeze %dma_wait3A_227 : memref<1x10x128xi32, #tpu.memory_space<hbm>> -> memref<10x128xi32, #tpu.memory_space<hbm>>
      tpu.wait_dma2 semaphore(%run_scoped3A : memref<!tpu.dma_semaphore, #tpu.memory_space<semaphore_mem>>) src(%dma_wait3A_228 : memref<10x128xi32, #tpu.memory_space<hbm>>) dst(%arg7 : memref<10x128xi32, #tpu.memory_space<vmem>>)
      tpu.yield
    }) : () -> ()
    %dma_start3A = arith.constant 0 : i32
    %dma_start3A_1 = arith.constant 0 : i32
    %dma_start3A_2 = tpu.memref_slice %arg7[%dma_start3A, %dma_start3A_1] : memref<10x128xi32, #tpu.memory_space<vmem>> -> memref<1x128xi32, #tpu.memory_space<vmem>>
    %dma_start3A_3 = tpu.memref_squeeze %dma_start3A_2 : memref<1x128xi32, #tpu.memory_space<vmem>> -> memref<128xi32, #tpu.memory_space<vmem>>
    %dma_start3A_4 = arith.constant 0 : i32
    %dma_start3A_5 = arith.constant 0 : i32
    %dma_start3A_6 = tpu.memref_slice %arg4[%dma_start3A_4, %dma_start3A_5] : memref<100000x128xf32, #tpu.memory_space<hbm>> -> memref<100000x128xf32, #tpu.memory_space<hbm>>
    tpu.enqueue_indirect_dma source(%dma_start3A_6 : memref<100000x128xf32, #tpu.memory_space<hbm>>) target(%arg8 : memref<128x128xf32, #tpu.memory_space<vmem>>) offsets(%dma_start3A_3 : memref<128xi32, #tpu.memory_space<vmem>>) semaphore(%arg11 : memref<!tpu.dma_semaphore, #tpu.memory_space<semaphore_mem>>)
    %dma_wait3A = arith.constant 0 : i32
    %dma_wait3A_7 = arith.constant 0 : i32
    %dma_wait3A_8 = tpu.memref_slice %arg7[%dma_wait3A, %dma_wait3A_7] : memref<10x128xi32, #tpu.memory_space<vmem>> -> memref<1x128xi32, #tpu.memory_space<vmem>>
    %dma_wait3A_9 = tpu.memref_squeeze %dma_wait3A_8 : memref<1x128xi32, #tpu.memory_space<vmem>> -> memref<128xi32, #tpu.memory_space<vmem>>
    %dma_wait3A_10 = arith.constant 0 : i32
    %dma_wait3A_11 = arith.constant 0 : i32
    %dma_wait3A_12 = tpu.memref_slice %arg4[%dma_wait3A_10, %dma_wait3A_11] : memref<100000x128xf32, #tpu.memory_space<hbm>> -> memref<100000x128xf32, #tpu.memory_space<hbm>>
    tpu.wait_indirect_dma semaphore(%arg11 : memref<!tpu.dma_semaphore, #tpu.memory_space<semaphore_mem>>) src(%dma_wait3A_12 : memref<100000x128xf32, #tpu.memory_space<hbm>>) dst(%arg8 : memref<128x128xf32, #tpu.memory_space<vmem>>)
    %mul3A_13 = arith.constant 10 : i32
    %mul3A_14 = arith.muli %add3A, %mul3A_13 : i32
    %add3A_15 = arith.constant 0 : i32
    %add3A_16 = arith.addi %mul3A_14, %add3A_15 : i32
    %mul3A_17 = arith.constant 128 : i32
    %mul3A_18 = arith.muli %add3A_16, %mul3A_17 : i32
    "tpu.region"() ({
      %run_scoped3A = tpu.sem_alloc : memref<!tpu.dma_semaphore, #tpu.memory_space<semaphore_mem>>
      %dma_start3A_213 = arith.constant 0 : i32
      %dma_start3A_214 = tpu.memref_slice %arg5[%mul3A_18, %dma_start3A_213] : memref<40960x128xf32, #tpu.memory_space<hbm>> -> memref<128x128xf32, #tpu.memory_space<hbm>>
      %dma_start3A_215 = arith.constant 0 : i32
      %dma_start3A_216 = tpu.memref_slice %arg5[%mul3A_18, %dma_start3A_215] : memref<40960x128xf32, #tpu.memory_space<hbm>> -> memref<128x128xf32, #tpu.memory_space<hbm>>
      tpu.enqueue_dma source(%arg8 : memref<128x128xf32, #tpu.memory_space<vmem>>) target(%dma_start3A_216 : memref<128x128xf32, #tpu.memory_space<hbm>>) target_semaphore(%run_scoped3A : memref<!tpu.dma_semaphore, #tpu.memory_space<semaphore_mem>>)
      %dma_wait3A_217 = arith.constant 0 : i32
      %dma_wait3A_218 = tpu.memref_slice %arg5[%mul3A_18, %dma_wait3A_217] : memref<40960x128xf32, #tpu.memory_space<hbm>> -> memref<128x128xf32, #tpu.memory_space<hbm>>
      %dma_wait3A_219 = arith.constant 0 : i32
      %dma_wait3A_220 = tpu.memref_slice %arg5[%mul3A_18, %dma_wait3A_219] : memref<40960x128xf32, #tpu.memory_space<hbm>> -> memref<128x128xf32, #tpu.memory_space<hbm>>
      tpu.wait_dma2 semaphore(%run_scoped3A : memref<!tpu.dma_semaphore, #tpu.memory_space<semaphore_mem>>) src(%arg8 : memref<128x128xf32, #tpu.memory_space<vmem>>) dst(%dma_wait3A_220 : memref<128x128xf32, #tpu.memory_space<hbm>>)
      tpu.yield
    }) : () -> ()
    %dma_start3A_19 = arith.constant 1 : i32
    %dma_start3A_20 = arith.constant 0 : i32
    %dma_start3A_21 = tpu.memref_slice %arg7[%dma_start3A_19, %dma_start3A_20] : memref<10x128xi32, #tpu.memory_space<vmem>> -> memref<1x128xi32, #tpu.memory_space<vmem>>
    %dma_start3A_22 = tpu.memref_squeeze %dma_start3A_21 : memref<1x128xi32, #tpu.memory_space<vmem>> -> memref<128xi32, #tpu.memory_space<vmem>>
    %dma_start3A_23 = arith.constant 0 : i32
    %dma_start3A_24 = arith.constant 0 : i32
    %dma_start3A_25 = tpu.memref_slice %arg4[%dma_start3A_23, %dma_start3A_24] : memref<100000x128xf32, #tpu.memory_space<hbm>> -> memref<100000x128xf32, #tpu.memory_space<hbm>>
    tpu.enqueue_indirect_dma source(%dma_start3A_25 : memref<100000x128xf32, #tpu.memory_space<hbm>>) target(%arg8 : memref<128x128xf32, #tpu.memory_space<vmem>>) offsets(%dma_start3A_22 : memref<128xi32, #tpu.memory_space<vmem>>) semaphore(%arg11 : memref<!tpu.dma_semaphore, #tpu.memory_space<semaphore_mem>>)
    %dma_wait3A_26 = arith.constant 1 : i32
    %dma_wait3A_27 = arith.constant 0 : i32
    %dma_wait3A_28 = tpu.memref_slice %arg7[%dma_wait3A_26, %dma_wait3A_27] : memref<10x128xi32, #tpu.memory_space<vmem>> -> memref<1x128xi32, #tpu.memory_space<vmem>>
    %dma_wait3A_29 = tpu.memref_squeeze %dma_wait3A_28 : memref<1x128xi32, #tpu.memory_space<vmem>> -> memref<128xi32, #tpu.memory_space<vmem>>
    %dma_wait3A_30 = arith.constant 0 : i32
    %dma_wait3A_31 = arith.constant 0 : i32
    %dma_wait3A_32 = tpu.memref_slice %arg4[%dma_wait3A_30, %dma_wait3A_31] : memref<100000x128xf32, #tpu.memory_space<hbm>> -> memref<100000x128xf32, #tpu.memory_space<hbm>>
    tpu.wait_indirect_dma semaphore(%arg11 : memref<!tpu.dma_semaphore, #tpu.memory_space<semaphore_mem>>) src(%dma_wait3A_32 : memref<100000x128xf32, #tpu.memory_space<hbm>>) dst(%arg8 : memref<128x128xf32, #tpu.memory_space<vmem>>)
    %mul3A_33 = arith.constant 10 : i32
    %mul3A_34 = arith.muli %add3A, %mul3A_33 : i32
    %add3A_35 = arith.constant 1 : i32
    %add3A_36 = arith.addi %mul3A_34, %add3A_35 : i32
    %mul3A_37 = arith.constant 128 : i32
    %mul3A_38 = arith.muli %add3A_36, %mul3A_37 : i32
    "tpu.region"() ({
      %run_scoped3A = tpu.sem_alloc : memref<!tpu.dma_semaphore, #tpu.memory_space<semaphore_mem>>
      %dma_start3A_213 = arith.constant 0 : i32
      %dma_start3A_214 = tpu.memref_slice %arg5[%mul3A_38, %dma_start3A_213] : memref<40960x128xf32, #tpu.memory_space<hbm>> -> memref<128x128xf32, #tpu.memory_space<hbm>>
      %dma_start3A_215 = arith.constant 0 : i32
      %dma_start3A_216 = tpu.memref_slice %arg5[%mul3A_38, %dma_start3A_215] : memref<40960x128xf32, #tpu.memory_space<hbm>> -> memref<128x128xf32, #tpu.memory_space<hbm>>
      tpu.enqueue_dma source(%arg8 : memref<128x128xf32, #tpu.memory_space<vmem>>) target(%dma_start3A_216 : memref<128x128xf32, #tpu.memory_space<hbm>>) target_semaphore(%run_scoped3A : memref<!tpu.dma_semaphore, #tpu.memory_space<semaphore_mem>>)
      %dma_wait3A_217 = arith.constant 0 : i32
      %dma_wait3A_218 = tpu.memref_slice %arg5[%mul3A_38, %dma_wait3A_217] : memref<40960x128xf32, #tpu.memory_space<hbm>> -> memref<128x128xf32, #tpu.memory_space<hbm>>
      %dma_wait3A_219 = arith.constant 0 : i32
      %dma_wait3A_220 = tpu.memref_slice %arg5[%mul3A_38, %dma_wait3A_219] : memref<40960x128xf32, #tpu.memory_space<hbm>> -> memref<128x128xf32, #tpu.memory_space<hbm>>
      tpu.wait_dma2 semaphore(%run_scoped3A : memref<!tpu.dma_semaphore, #tpu.memory_space<semaphore_mem>>) src(%arg8 : memref<128x128xf32, #tpu.memory_space<vmem>>) dst(%dma_wait3A_220 : memref<128x128xf32, #tpu.memory_space<hbm>>)
      tpu.yield
    }) : () -> ()
    %dma_start3A_39 = arith.constant 2 : i32
    %dma_start3A_40 = arith.constant 0 : i32
    %dma_start3A_41 = tpu.memref_slice %arg7[%dma_start3A_39, %dma_start3A_40] : memref<10x128xi32, #tpu.memory_space<vmem>> -> memref<1x128xi32, #tpu.memory_space<vmem>>
    %dma_start3A_42 = tpu.memref_squeeze %dma_start3A_41 : memref<1x128xi32, #tpu.memory_space<vmem>> -> memref<128xi32, #tpu.memory_space<vmem>>
    %dma_start3A_43 = arith.constant 0 : i32
    %dma_start3A_44 = arith.constant 0 : i32
    %dma_start3A_45 = tpu.memref_slice %arg4[%dma_start3A_43, %dma_start3A_44] : memref<100000x128xf32, #tpu.memory_space<hbm>> -> memref<100000x128xf32, #tpu.memory_space<hbm>>
    tpu.enqueue_indirect_dma source(%dma_start3A_45 : memref<100000x128xf32, #tpu.memory_space<hbm>>) target(%arg8 : memref<128x128xf32, #tpu.memory_space<vmem>>) offsets(%dma_start3A_42 : memref<128xi32, #tpu.memory_space<vmem>>) semaphore(%arg11 : memref<!tpu.dma_semaphore, #tpu.memory_space<semaphore_mem>>)
    %dma_wait3A_46 = arith.constant 2 : i32
    %dma_wait3A_47 = arith.constant 0 : i32
    %dma_wait3A_48 = tpu.memref_slice %arg7[%dma_wait3A_46, %dma_wait3A_47] : memref<10x128xi32, #tpu.memory_space<vmem>> -> memref<1x128xi32, #tpu.memory_space<vmem>>
    %dma_wait3A_49 = tpu.memref_squeeze %dma_wait3A_48 : memref<1x128xi32, #tpu.memory_space<vmem>> -> memref<128xi32, #tpu.memory_space<vmem>>
    %dma_wait3A_50 = arith.constant 0 : i32
    %dma_wait3A_51 = arith.constant 0 : i32
    %dma_wait3A_52 = tpu.memref_slice %arg4[%dma_wait3A_50, %dma_wait3A_51] : memref<100000x128xf32, #tpu.memory_space<hbm>> -> memref<100000x128xf32, #tpu.memory_space<hbm>>
    tpu.wait_indirect_dma semaphore(%arg11 : memref<!tpu.dma_semaphore, #tpu.memory_space<semaphore_mem>>) src(%dma_wait3A_52 : memref<100000x128xf32, #tpu.memory_space<hbm>>) dst(%arg8 : memref<128x128xf32, #tpu.memory_space<vmem>>)
    %mul3A_53 = arith.constant 10 : i32
    %mul3A_54 = arith.muli %add3A, %mul3A_53 : i32
    %add3A_55 = arith.constant 2 : i32
    %add3A_56 = arith.addi %mul3A_54, %add3A_55 : i32
    %mul3A_57 = arith.constant 128 : i32
    %mul3A_58 = arith.muli %add3A_56, %mul3A_57 : i32
    "tpu.region"() ({
      %run_scoped3A = tpu.sem_alloc : memref<!tpu.dma_semaphore, #tpu.memory_space<semaphore_mem>>
      %dma_start3A_213 = arith.constant 0 : i32
      %dma_start3A_214 = tpu.memref_slice %arg5[%mul3A_58, %dma_start3A_213] : memref<40960x128xf32, #tpu.memory_space<hbm>> -> memref<128x128xf32, #tpu.memory_space<hbm>>
      %dma_start3A_215 = arith.constant 0 : i32
      %dma_start3A_216 = tpu.memref_slice %arg5[%mul3A_58, %dma_start3A_215] : memref<40960x128xf32, #tpu.memory_space<hbm>> -> memref<128x128xf32, #tpu.memory_space<hbm>>
      tpu.enqueue_dma source(%arg8 : memref<128x128xf32, #tpu.memory_space<vmem>>) target(%dma_start3A_216 : memref<128x128xf32, #tpu.memory_space<hbm>>) target_semaphore(%run_scoped3A : memref<!tpu.dma_semaphore, #tpu.memory_space<semaphore_mem>>)
      %dma_wait3A_217 = arith.constant 0 : i32
      %dma_wait3A_218 = tpu.memref_slice %arg5[%mul3A_58, %dma_wait3A_217] : memref<40960x128xf32, #tpu.memory_space<hbm>> -> memref<128x128xf32, #tpu.memory_space<hbm>>
      %dma_wait3A_219 = arith.constant 0 : i32
      %dma_wait3A_220 = tpu.memref_slice %arg5[%mul3A_58, %dma_wait3A_219] : memref<40960x128xf32, #tpu.memory_space<hbm>> -> memref<128x128xf32, #tpu.memory_space<hbm>>
      tpu.wait_dma2 semaphore(%run_scoped3A : memref<!tpu.dma_semaphore, #tpu.memory_space<semaphore_mem>>) src(%arg8 : memref<128x128xf32, #tpu.memory_space<vmem>>) dst(%dma_wait3A_220 : memref<128x128xf32, #tpu.memory_space<hbm>>)
      tpu.yield
    }) : () -> ()
    %dma_start3A_59 = arith.constant 3 : i32
    %dma_start3A_60 = arith.constant 0 : i32
    %dma_start3A_61 = tpu.memref_slice %arg7[%dma_start3A_59, %dma_start3A_60] : memref<10x128xi32, #tpu.memory_space<vmem>> -> memref<1x128xi32, #tpu.memory_space<vmem>>
    %dma_start3A_62 = tpu.memref_squeeze %dma_start3A_61 : memref<1x128xi32, #tpu.memory_space<vmem>> -> memref<128xi32, #tpu.memory_space<vmem>>
    %dma_start3A_63 = arith.constant 0 : i32
    %dma_start3A_64 = arith.constant 0 : i32
    %dma_start3A_65 = tpu.memref_slice %arg4[%dma_start3A_63, %dma_start3A_64] : memref<100000x128xf32, #tpu.memory_space<hbm>> -> memref<100000x128xf32, #tpu.memory_space<hbm>>
    tpu.enqueue_indirect_dma source(%dma_start3A_65 : memref<100000x128xf32, #tpu.memory_space<hbm>>) target(%arg8 : memref<128x128xf32, #tpu.memory_space<vmem>>) offsets(%dma_start3A_62 : memref<128xi32, #tpu.memory_space<vmem>>) semaphore(%arg11 : memref<!tpu.dma_semaphore, #tpu.memory_space<semaphore_mem>>)
    %dma_wait3A_66 = arith.constant 3 : i32
    %dma_wait3A_67 = arith.constant 0 : i32
    %dma_wait3A_68 = tpu.memref_slice %arg7[%dma_wait3A_66, %dma_wait3A_67] : memref<10x128xi32, #tpu.memory_space<vmem>> -> memref<1x128xi32, #tpu.memory_space<vmem>>
    %dma_wait3A_69 = tpu.memref_squeeze %dma_wait3A_68 : memref<1x128xi32, #tpu.memory_space<vmem>> -> memref<128xi32, #tpu.memory_space<vmem>>
    %dma_wait3A_70 = arith.constant 0 : i32
    %dma_wait3A_71 = arith.constant 0 : i32
    %dma_wait3A_72 = tpu.memref_slice %arg4[%dma_wait3A_70, %dma_wait3A_71] : memref<100000x128xf32, #tpu.memory_space<hbm>> -> memref<100000x128xf32, #tpu.memory_space<hbm>>
    tpu.wait_indirect_dma semaphore(%arg11 : memref<!tpu.dma_semaphore, #tpu.memory_space<semaphore_mem>>) src(%dma_wait3A_72 : memref<100000x128xf32, #tpu.memory_space<hbm>>) dst(%arg8 : memref<128x128xf32, #tpu.memory_space<vmem>>)
    %mul3A_73 = arith.constant 10 : i32
    %mul3A_74 = arith.muli %add3A, %mul3A_73 : i32
    %add3A_75 = arith.constant 3 : i32
    %add3A_76 = arith.addi %mul3A_74, %add3A_75 : i32
    %mul3A_77 = arith.constant 128 : i32
    %mul3A_78 = arith.muli %add3A_76, %mul3A_77 : i32
    "tpu.region"() ({
      %run_scoped3A = tpu.sem_alloc : memref<!tpu.dma_semaphore, #tpu.memory_space<semaphore_mem>>
      %dma_start3A_213 = arith.constant 0 : i32
      %dma_start3A_214 = tpu.memref_slice %arg5[%mul3A_78, %dma_start3A_213] : memref<40960x128xf32, #tpu.memory_space<hbm>> -> memref<128x128xf32, #tpu.memory_space<hbm>>
      %dma_start3A_215 = arith.constant 0 : i32
      %dma_start3A_216 = tpu.memref_slice %arg5[%mul3A_78, %dma_start3A_215] : memref<40960x128xf32, #tpu.memory_space<hbm>> -> memref<128x128xf32, #tpu.memory_space<hbm>>
      tpu.enqueue_dma source(%arg8 : memref<128x128xf32, #tpu.memory_space<vmem>>) target(%dma_start3A_216 : memref<128x128xf32, #tpu.memory_space<hbm>>) target_semaphore(%run_scoped3A : memref<!tpu.dma_semaphore, #tpu.memory_space<semaphore_mem>>)
      %dma_wait3A_217 = arith.constant 0 : i32
      %dma_wait3A_218 = tpu.memref_slice %arg5[%mul3A_78, %dma_wait3A_217] : memref<40960x128xf32, #tpu.memory_space<hbm>> -> memref<128x128xf32, #tpu.memory_space<hbm>>
      %dma_wait3A_219 = arith.constant 0 : i32
      %dma_wait3A_220 = tpu.memref_slice %arg5[%mul3A_78, %dma_wait3A_219] : memref<40960x128xf32, #tpu.memory_space<hbm>> -> memref<128x128xf32, #tpu.memory_space<hbm>>
      tpu.wait_dma2 semaphore(%run_scoped3A : memref<!tpu.dma_semaphore, #tpu.memory_space<semaphore_mem>>) src(%arg8 : memref<128x128xf32, #tpu.memory_space<vmem>>) dst(%dma_wait3A_220 : memref<128x128xf32, #tpu.memory_space<hbm>>)
      tpu.yield
    }) : () -> ()
    %dma_start3A_79 = arith.constant 4 : i32
    %dma_start3A_80 = arith.constant 0 : i32
    %dma_start3A_81 = tpu.memref_slice %arg7[%dma_start3A_79, %dma_start3A_80] : memref<10x128xi32, #tpu.memory_space<vmem>> -> memref<1x128xi32, #tpu.memory_space<vmem>>
    %dma_start3A_82 = tpu.memref_squeeze %dma_start3A_81 : memref<1x128xi32, #tpu.memory_space<vmem>> -> memref<128xi32, #tpu.memory_space<vmem>>
    %dma_start3A_83 = arith.constant 0 : i32
    %dma_start3A_84 = arith.constant 0 : i32
    %dma_start3A_85 = tpu.memref_slice %arg4[%dma_start3A_83, %dma_start3A_84] : memref<100000x128xf32, #tpu.memory_space<hbm>> -> memref<100000x128xf32, #tpu.memory_space<hbm>>
    tpu.enqueue_indirect_dma source(%dma_start3A_85 : memref<100000x128xf32, #tpu.memory_space<hbm>>) target(%arg8 : memref<128x128xf32, #tpu.memory_space<vmem>>) offsets(%dma_start3A_82 : memref<128xi32, #tpu.memory_space<vmem>>) semaphore(%arg11 : memref<!tpu.dma_semaphore, #tpu.memory_space<semaphore_mem>>)
    %dma_wait3A_86 = arith.constant 4 : i32
    %dma_wait3A_87 = arith.constant 0 : i32
    %dma_wait3A_88 = tpu.memref_slice %arg7[%dma_wait3A_86, %dma_wait3A_87] : memref<10x128xi32, #tpu.memory_space<vmem>> -> memref<1x128xi32, #tpu.memory_space<vmem>>
    %dma_wait3A_89 = tpu.memref_squeeze %dma_wait3A_88 : memref<1x128xi32, #tpu.memory_space<vmem>> -> memref<128xi32, #tpu.memory_space<vmem>>
    %dma_wait3A_90 = arith.constant 0 : i32
    %dma_wait3A_91 = arith.constant 0 : i32
    %dma_wait3A_92 = tpu.memref_slice %arg4[%dma_wait3A_90, %dma_wait3A_91] : memref<100000x128xf32, #tpu.memory_space<hbm>> -> memref<100000x128xf32, #tpu.memory_space<hbm>>
    tpu.wait_indirect_dma semaphore(%arg11 : memref<!tpu.dma_semaphore, #tpu.memory_space<semaphore_mem>>) src(%dma_wait3A_92 : memref<100000x128xf32, #tpu.memory_space<hbm>>) dst(%arg8 : memref<128x128xf32, #tpu.memory_space<vmem>>)
    %mul3A_93 = arith.constant 10 : i32
    %mul3A_94 = arith.muli %add3A, %mul3A_93 : i32
    %add3A_95 = arith.constant 4 : i32
    %add3A_96 = arith.addi %mul3A_94, %add3A_95 : i32
    %mul3A_97 = arith.constant 128 : i32
    %mul3A_98 = arith.muli %add3A_96, %mul3A_97 : i32
    "tpu.region"() ({
      %run_scoped3A = tpu.sem_alloc : memref<!tpu.dma_semaphore, #tpu.memory_space<semaphore_mem>>
      %dma_start3A_213 = arith.constant 0 : i32
      %dma_start3A_214 = tpu.memref_slice %arg5[%mul3A_98, %dma_start3A_213] : memref<40960x128xf32, #tpu.memory_space<hbm>> -> memref<128x128xf32, #tpu.memory_space<hbm>>
      %dma_start3A_215 = arith.constant 0 : i32
      %dma_start3A_216 = tpu.memref_slice %arg5[%mul3A_98, %dma_start3A_215] : memref<40960x128xf32, #tpu.memory_space<hbm>> -> memref<128x128xf32, #tpu.memory_space<hbm>>
      tpu.enqueue_dma source(%arg8 : memref<128x128xf32, #tpu.memory_space<vmem>>) target(%dma_start3A_216 : memref<128x128xf32, #tpu.memory_space<hbm>>) target_semaphore(%run_scoped3A : memref<!tpu.dma_semaphore, #tpu.memory_space<semaphore_mem>>)
      %dma_wait3A_217 = arith.constant 0 : i32
      %dma_wait3A_218 = tpu.memref_slice %arg5[%mul3A_98, %dma_wait3A_217] : memref<40960x128xf32, #tpu.memory_space<hbm>> -> memref<128x128xf32, #tpu.memory_space<hbm>>
      %dma_wait3A_219 = arith.constant 0 : i32
      %dma_wait3A_220 = tpu.memref_slice %arg5[%mul3A_98, %dma_wait3A_219] : memref<40960x128xf32, #tpu.memory_space<hbm>> -> memref<128x128xf32, #tpu.memory_space<hbm>>
      tpu.wait_dma2 semaphore(%run_scoped3A : memref<!tpu.dma_semaphore, #tpu.memory_space<semaphore_mem>>) src(%arg8 : memref<128x128xf32, #tpu.memory_space<vmem>>) dst(%dma_wait3A_220 : memref<128x128xf32, #tpu.memory_space<hbm>>)
      tpu.yield
    }) : () -> ()
    %dma_start3A_99 = arith.constant 5 : i32
    %dma_start3A_100 = arith.constant 0 : i32
    %dma_start3A_101 = tpu.memref_slice %arg7[%dma_start3A_99, %dma_start3A_100] : memref<10x128xi32, #tpu.memory_space<vmem>> -> memref<1x128xi32, #tpu.memory_space<vmem>>
    %dma_start3A_102 = tpu.memref_squeeze %dma_start3A_101 : memref<1x128xi32, #tpu.memory_space<vmem>> -> memref<128xi32, #tpu.memory_space<vmem>>
    %dma_start3A_103 = arith.constant 0 : i32
    %dma_start3A_104 = arith.constant 0 : i32
    %dma_start3A_105 = tpu.memref_slice %arg4[%dma_start3A_103, %dma_start3A_104] : memref<100000x128xf32, #tpu.memory_space<hbm>> -> memref<100000x128xf32, #tpu.memory_space<hbm>>
    tpu.enqueue_indirect_dma source(%dma_start3A_105 : memref<100000x128xf32, #tpu.memory_space<hbm>>) target(%arg8 : memref<128x128xf32, #tpu.memory_space<vmem>>) offsets(%dma_start3A_102 : memref<128xi32, #tpu.memory_space<vmem>>) semaphore(%arg11 : memref<!tpu.dma_semaphore, #tpu.memory_space<semaphore_mem>>)
    %dma_wait3A_106 = arith.constant 5 : i32
    %dma_wait3A_107 = arith.constant 0 : i32
    %dma_wait3A_108 = tpu.memref_slice %arg7[%dma_wait3A_106, %dma_wait3A_107] : memref<10x128xi32, #tpu.memory_space<vmem>> -> memref<1x128xi32, #tpu.memory_space<vmem>>
    %dma_wait3A_109 = tpu.memref_squeeze %dma_wait3A_108 : memref<1x128xi32, #tpu.memory_space<vmem>> -> memref<128xi32, #tpu.memory_space<vmem>>
    %dma_wait3A_110 = arith.constant 0 : i32
    %dma_wait3A_111 = arith.constant 0 : i32
    %dma_wait3A_112 = tpu.memref_slice %arg4[%dma_wait3A_110, %dma_wait3A_111] : memref<100000x128xf32, #tpu.memory_space<hbm>> -> memref<100000x128xf32, #tpu.memory_space<hbm>>
    tpu.wait_indirect_dma semaphore(%arg11 : memref<!tpu.dma_semaphore, #tpu.memory_space<semaphore_mem>>) src(%dma_wait3A_112 : memref<100000x128xf32, #tpu.memory_space<hbm>>) dst(%arg8 : memref<128x128xf32, #tpu.memory_space<vmem>>)
    %mul3A_113 = arith.constant 10 : i32
    %mul3A_114 = arith.muli %add3A, %mul3A_113 : i32
    %add3A_115 = arith.constant 5 : i32
    %add3A_116 = arith.addi %mul3A_114, %add3A_115 : i32
    %mul3A_117 = arith.constant 128 : i32
    %mul3A_118 = arith.muli %add3A_116, %mul3A_117 : i32
    "tpu.region"() ({
      %run_scoped3A = tpu.sem_alloc : memref<!tpu.dma_semaphore, #tpu.memory_space<semaphore_mem>>
      %dma_start3A_213 = arith.constant 0 : i32
      %dma_start3A_214 = tpu.memref_slice %arg5[%mul3A_118, %dma_start3A_213] : memref<40960x128xf32, #tpu.memory_space<hbm>> -> memref<128x128xf32, #tpu.memory_space<hbm>>
      %dma_start3A_215 = arith.constant 0 : i32
      %dma_start3A_216 = tpu.memref_slice %arg5[%mul3A_118, %dma_start3A_215] : memref<40960x128xf32, #tpu.memory_space<hbm>> -> memref<128x128xf32, #tpu.memory_space<hbm>>
      tpu.enqueue_dma source(%arg8 : memref<128x128xf32, #tpu.memory_space<vmem>>) target(%dma_start3A_216 : memref<128x128xf32, #tpu.memory_space<hbm>>) target_semaphore(%run_scoped3A : memref<!tpu.dma_semaphore, #tpu.memory_space<semaphore_mem>>)
      %dma_wait3A_217 = arith.constant 0 : i32
      %dma_wait3A_218 = tpu.memref_slice %arg5[%mul3A_118, %dma_wait3A_217] : memref<40960x128xf32, #tpu.memory_space<hbm>> -> memref<128x128xf32, #tpu.memory_space<hbm>>
      %dma_wait3A_219 = arith.constant 0 : i32
      %dma_wait3A_220 = tpu.memref_slice %arg5[%mul3A_118, %dma_wait3A_219] : memref<40960x128xf32, #tpu.memory_space<hbm>> -> memref<128x128xf32, #tpu.memory_space<hbm>>
      tpu.wait_dma2 semaphore(%run_scoped3A : memref<!tpu.dma_semaphore, #tpu.memory_space<semaphore_mem>>) src(%arg8 : memref<128x128xf32, #tpu.memory_space<vmem>>) dst(%dma_wait3A_220 : memref<128x128xf32, #tpu.memory_space<hbm>>)
      tpu.yield
    }) : () -> ()
    %dma_start3A_119 = arith.constant 6 : i32
    %dma_start3A_120 = arith.constant 0 : i32
    %dma_start3A_121 = tpu.memref_slice %arg7[%dma_start3A_119, %dma_start3A_120] : memref<10x128xi32, #tpu.memory_space<vmem>> -> memref<1x128xi32, #tpu.memory_space<vmem>>
    %dma_start3A_122 = tpu.memref_squeeze %dma_start3A_121 : memref<1x128xi32, #tpu.memory_space<vmem>> -> memref<128xi32, #tpu.memory_space<vmem>>
    %dma_start3A_123 = arith.constant 0 : i32
    %dma_start3A_124 = arith.constant 0 : i32
    %dma_start3A_125 = tpu.memref_slice %arg4[%dma_start3A_123, %dma_start3A_124] : memref<100000x128xf32, #tpu.memory_space<hbm>> -> memref<100000x128xf32, #tpu.memory_space<hbm>>
    tpu.enqueue_indirect_dma source(%dma_start3A_125 : memref<100000x128xf32, #tpu.memory_space<hbm>>) target(%arg8 : memref<128x128xf32, #tpu.memory_space<vmem>>) offsets(%dma_start3A_122 : memref<128xi32, #tpu.memory_space<vmem>>) semaphore(%arg11 : memref<!tpu.dma_semaphore, #tpu.memory_space<semaphore_mem>>)
    %dma_wait3A_126 = arith.constant 6 : i32
    %dma_wait3A_127 = arith.constant 0 : i32
    %dma_wait3A_128 = tpu.memref_slice %arg7[%dma_wait3A_126, %dma_wait3A_127] : memref<10x128xi32, #tpu.memory_space<vmem>> -> memref<1x128xi32, #tpu.memory_space<vmem>>
    %dma_wait3A_129 = tpu.memref_squeeze %dma_wait3A_128 : memref<1x128xi32, #tpu.memory_space<vmem>> -> memref<128xi32, #tpu.memory_space<vmem>>
    %dma_wait3A_130 = arith.constant 0 : i32
    %dma_wait3A_131 = arith.constant 0 : i32
    %dma_wait3A_132 = tpu.memref_slice %arg4[%dma_wait3A_130, %dma_wait3A_131] : memref<100000x128xf32, #tpu.memory_space<hbm>> -> memref<100000x128xf32, #tpu.memory_space<hbm>>
    tpu.wait_indirect_dma semaphore(%arg11 : memref<!tpu.dma_semaphore, #tpu.memory_space<semaphore_mem>>) src(%dma_wait3A_132 : memref<100000x128xf32, #tpu.memory_space<hbm>>) dst(%arg8 : memref<128x128xf32, #tpu.memory_space<vmem>>)
    %mul3A_133 = arith.constant 10 : i32
    %mul3A_134 = arith.muli %add3A, %mul3A_133 : i32
    %add3A_135 = arith.constant 6 : i32
    %add3A_136 = arith.addi %mul3A_134, %add3A_135 : i32
    %mul3A_137 = arith.constant 128 : i32
    %mul3A_138 = arith.muli %add3A_136, %mul3A_137 : i32
    "tpu.region"() ({
      %run_scoped3A = tpu.sem_alloc : memref<!tpu.dma_semaphore, #tpu.memory_space<semaphore_mem>>
      %dma_start3A_213 = arith.constant 0 : i32
      %dma_start3A_214 = tpu.memref_slice %arg5[%mul3A_138, %dma_start3A_213] : memref<40960x128xf32, #tpu.memory_space<hbm>> -> memref<128x128xf32, #tpu.memory_space<hbm>>
      %dma_start3A_215 = arith.constant 0 : i32
      %dma_start3A_216 = tpu.memref_slice %arg5[%mul3A_138, %dma_start3A_215] : memref<40960x128xf32, #tpu.memory_space<hbm>> -> memref<128x128xf32, #tpu.memory_space<hbm>>
      tpu.enqueue_dma source(%arg8 : memref<128x128xf32, #tpu.memory_space<vmem>>) target(%dma_start3A_216 : memref<128x128xf32, #tpu.memory_space<hbm>>) target_semaphore(%run_scoped3A : memref<!tpu.dma_semaphore, #tpu.memory_space<semaphore_mem>>)
      %dma_wait3A_217 = arith.constant 0 : i32
      %dma_wait3A_218 = tpu.memref_slice %arg5[%mul3A_138, %dma_wait3A_217] : memref<40960x128xf32, #tpu.memory_space<hbm>> -> memref<128x128xf32, #tpu.memory_space<hbm>>
      %dma_wait3A_219 = arith.constant 0 : i32
      %dma_wait3A_220 = tpu.memref_slice %arg5[%mul3A_138, %dma_wait3A_219] : memref<40960x128xf32, #tpu.memory_space<hbm>> -> memref<128x128xf32, #tpu.memory_space<hbm>>
      tpu.wait_dma2 semaphore(%run_scoped3A : memref<!tpu.dma_semaphore, #tpu.memory_space<semaphore_mem>>) src(%arg8 : memref<128x128xf32, #tpu.memory_space<vmem>>) dst(%dma_wait3A_220 : memref<128x128xf32, #tpu.memory_space<hbm>>)
      tpu.yield
    }) : () -> ()
    %dma_start3A_139 = arith.constant 7 : i32
    %dma_start3A_140 = arith.constant 0 : i32
    %dma_start3A_141 = tpu.memref_slice %arg7[%dma_start3A_139, %dma_start3A_140] : memref<10x128xi32, #tpu.memory_space<vmem>> -> memref<1x128xi32, #tpu.memory_space<vmem>>
    %dma_start3A_142 = tpu.memref_squeeze %dma_start3A_141 : memref<1x128xi32, #tpu.memory_space<vmem>> -> memref<128xi32, #tpu.memory_space<vmem>>
    %dma_start3A_143 = arith.constant 0 : i32
    %dma_start3A_144 = arith.constant 0 : i32
    %dma_start3A_145 = tpu.memref_slice %arg4[%dma_start3A_143, %dma_start3A_144] : memref<100000x128xf32, #tpu.memory_space<hbm>> -> memref<100000x128xf32, #tpu.memory_space<hbm>>
    tpu.enqueue_indirect_dma source(%dma_start3A_145 : memref<100000x128xf32, #tpu.memory_space<hbm>>) target(%arg8 : memref<128x128xf32, #tpu.memory_space<vmem>>) offsets(%dma_start3A_142 : memref<128xi32, #tpu.memory_space<vmem>>) semaphore(%arg11 : memref<!tpu.dma_semaphore, #tpu.memory_space<semaphore_mem>>)
    %dma_wait3A_146 = arith.constant 7 : i32
    %dma_wait3A_147 = arith.constant 0 : i32
    %dma_wait3A_148 = tpu.memref_slice %arg7[%dma_wait3A_146, %dma_wait3A_147] : memref<10x128xi32, #tpu.memory_space<vmem>> -> memref<1x128xi32, #tpu.memory_space<vmem>>
    %dma_wait3A_149 = tpu.memref_squeeze %dma_wait3A_148 : memref<1x128xi32, #tpu.memory_space<vmem>> -> memref<128xi32, #tpu.memory_space<vmem>>
    %dma_wait3A_150 = arith.constant 0 : i32
    %dma_wait3A_151 = arith.constant 0 : i32
    %dma_wait3A_152 = tpu.memref_slice %arg4[%dma_wait3A_150, %dma_wait3A_151] : memref<100000x128xf32, #tpu.memory_space<hbm>> -> memref<100000x128xf32, #tpu.memory_space<hbm>>
    tpu.wait_indirect_dma semaphore(%arg11 : memref<!tpu.dma_semaphore, #tpu.memory_space<semaphore_mem>>) src(%dma_wait3A_152 : memref<100000x128xf32, #tpu.memory_space<hbm>>) dst(%arg8 : memref<128x128xf32, #tpu.memory_space<vmem>>)
    %mul3A_153 = arith.constant 10 : i32
    %mul3A_154 = arith.muli %add3A, %mul3A_153 : i32
    %add3A_155 = arith.constant 7 : i32
    %add3A_156 = arith.addi %mul3A_154, %add3A_155 : i32
    %mul3A_157 = arith.constant 128 : i32
    %mul3A_158 = arith.muli %add3A_156, %mul3A_157 : i32
    "tpu.region"() ({
      %run_scoped3A = tpu.sem_alloc : memref<!tpu.dma_semaphore, #tpu.memory_space<semaphore_mem>>
      %dma_start3A_213 = arith.constant 0 : i32
      %dma_start3A_214 = tpu.memref_slice %arg5[%mul3A_158, %dma_start3A_213] : memref<40960x128xf32, #tpu.memory_space<hbm>> -> memref<128x128xf32, #tpu.memory_space<hbm>>
      %dma_start3A_215 = arith.constant 0 : i32
      %dma_start3A_216 = tpu.memref_slice %arg5[%mul3A_158, %dma_start3A_215] : memref<40960x128xf32, #tpu.memory_space<hbm>> -> memref<128x128xf32, #tpu.memory_space<hbm>>
      tpu.enqueue_dma source(%arg8 : memref<128x128xf32, #tpu.memory_space<vmem>>) target(%dma_start3A_216 : memref<128x128xf32, #tpu.memory_space<hbm>>) target_semaphore(%run_scoped3A : memref<!tpu.dma_semaphore, #tpu.memory_space<semaphore_mem>>)
      %dma_wait3A_217 = arith.constant 0 : i32
      %dma_wait3A_218 = tpu.memref_slice %arg5[%mul3A_158, %dma_wait3A_217] : memref<40960x128xf32, #tpu.memory_space<hbm>> -> memref<128x128xf32, #tpu.memory_space<hbm>>
      %dma_wait3A_219 = arith.constant 0 : i32
      %dma_wait3A_220 = tpu.memref_slice %arg5[%mul3A_158, %dma_wait3A_219] : memref<40960x128xf32, #tpu.memory_space<hbm>> -> memref<128x128xf32, #tpu.memory_space<hbm>>
      tpu.wait_dma2 semaphore(%run_scoped3A : memref<!tpu.dma_semaphore, #tpu.memory_space<semaphore_mem>>) src(%arg8 : memref<128x128xf32, #tpu.memory_space<vmem>>) dst(%dma_wait3A_220 : memref<128x128xf32, #tpu.memory_space<hbm>>)
      tpu.yield
    }) : () -> ()
    %dma_start3A_159 = arith.constant 8 : i32
    %dma_start3A_160 = arith.constant 0 : i32
    %dma_start3A_161 = tpu.memref_slice %arg7[%dma_start3A_159, %dma_start3A_160] : memref<10x128xi32, #tpu.memory_space<vmem>> -> memref<1x128xi32, #tpu.memory_space<vmem>>
    %dma_start3A_162 = tpu.memref_squeeze %dma_start3A_161 : memref<1x128xi32, #tpu.memory_space<vmem>> -> memref<128xi32, #tpu.memory_space<vmem>>
    %dma_start3A_163 = arith.constant 0 : i32
    %dma_start3A_164 = arith.constant 0 : i32
    %dma_start3A_165 = tpu.memref_slice %arg4[%dma_start3A_163, %dma_start3A_164] : memref<100000x128xf32, #tpu.memory_space<hbm>> -> memref<100000x128xf32, #tpu.memory_space<hbm>>
    tpu.enqueue_indirect_dma source(%dma_start3A_165 : memref<100000x128xf32, #tpu.memory_space<hbm>>) target(%arg8 : memref<128x128xf32, #tpu.memory_space<vmem>>) offsets(%dma_start3A_162 : memref<128xi32, #tpu.memory_space<vmem>>) semaphore(%arg11 : memref<!tpu.dma_semaphore, #tpu.memory_space<semaphore_mem>>)
    %dma_wait3A_166 = arith.constant 8 : i32
    %dma_wait3A_167 = arith.constant 0 : i32
    %dma_wait3A_168 = tpu.memref_slice %arg7[%dma_wait3A_166, %dma_wait3A_167] : memref<10x128xi32, #tpu.memory_space<vmem>> -> memref<1x128xi32, #tpu.memory_space<vmem>>
    %dma_wait3A_169 = tpu.memref_squeeze %dma_wait3A_168 : memref<1x128xi32, #tpu.memory_space<vmem>> -> memref<128xi32, #tpu.memory_space<vmem>>
    %dma_wait3A_170 = arith.constant 0 : i32
    %dma_wait3A_171 = arith.constant 0 : i32
    %dma_wait3A_172 = tpu.memref_slice %arg4[%dma_wait3A_170, %dma_wait3A_171] : memref<100000x128xf32, #tpu.memory_space<hbm>> -> memref<100000x128xf32, #tpu.memory_space<hbm>>
    tpu.wait_indirect_dma semaphore(%arg11 : memref<!tpu.dma_semaphore, #tpu.memory_space<semaphore_mem>>) src(%dma_wait3A_172 : memref<100000x128xf32, #tpu.memory_space<hbm>>) dst(%arg8 : memref<128x128xf32, #tpu.memory_space<vmem>>)
    %mul3A_173 = arith.constant 10 : i32
    %mul3A_174 = arith.muli %add3A, %mul3A_173 : i32
    %add3A_175 = arith.constant 8 : i32
    %add3A_176 = arith.addi %mul3A_174, %add3A_175 : i32
    %mul3A_177 = arith.constant 128 : i32
    %mul3A_178 = arith.muli %add3A_176, %mul3A_177 : i32
    "tpu.region"() ({
      %run_scoped3A = tpu.sem_alloc : memref<!tpu.dma_semaphore, #tpu.memory_space<semaphore_mem>>
      %dma_start3A_213 = arith.constant 0 : i32
      %dma_start3A_214 = tpu.memref_slice %arg5[%mul3A_178, %dma_start3A_213] : memref<40960x128xf32, #tpu.memory_space<hbm>> -> memref<128x128xf32, #tpu.memory_space<hbm>>
      %dma_start3A_215 = arith.constant 0 : i32
      %dma_start3A_216 = tpu.memref_slice %arg5[%mul3A_178, %dma_start3A_215] : memref<40960x128xf32, #tpu.memory_space<hbm>> -> memref<128x128xf32, #tpu.memory_space<hbm>>
      tpu.enqueue_dma source(%arg8 : memref<128x128xf32, #tpu.memory_space<vmem>>) target(%dma_start3A_216 : memref<128x128xf32, #tpu.memory_space<hbm>>) target_semaphore(%run_scoped3A : memref<!tpu.dma_semaphore, #tpu.memory_space<semaphore_mem>>)
      %dma_wait3A_217 = arith.constant 0 : i32
      %dma_wait3A_218 = tpu.memref_slice %arg5[%mul3A_178, %dma_wait3A_217] : memref<40960x128xf32, #tpu.memory_space<hbm>> -> memref<128x128xf32, #tpu.memory_space<hbm>>
      %dma_wait3A_219 = arith.constant 0 : i32
      %dma_wait3A_220 = tpu.memref_slice %arg5[%mul3A_178, %dma_wait3A_219] : memref<40960x128xf32, #tpu.memory_space<hbm>> -> memref<128x128xf32, #tpu.memory_space<hbm>>
      tpu.wait_dma2 semaphore(%run_scoped3A : memref<!tpu.dma_semaphore, #tpu.memory_space<semaphore_mem>>) src(%arg8 : memref<128x128xf32, #tpu.memory_space<vmem>>) dst(%dma_wait3A_220 : memref<128x128xf32, #tpu.memory_space<hbm>>)
      tpu.yield
    }) : () -> ()
    %dma_start3A_179 = arith.constant 9 : i32
    %dma_start3A_180 = arith.constant 0 : i32
    %dma_start3A_181 = tpu.memref_slice %arg7[%dma_start3A_179, %dma_start3A_180] : memref<10x128xi32, #tpu.memory_space<vmem>> -> memref<1x128xi32, #tpu.memory_space<vmem>>
    %dma_start3A_182 = tpu.memref_squeeze %dma_start3A_181 : memref<1x128xi32, #tpu.memory_space<vmem>> -> memref<128xi32, #tpu.memory_space<vmem>>
    %dma_start3A_183 = arith.constant 0 : i32
    %dma_start3A_184 = arith.constant 0 : i32
    %dma_start3A_185 = tpu.memref_slice %arg4[%dma_start3A_183, %dma_start3A_184] : memref<100000x128xf32, #tpu.memory_space<hbm>> -> memref<100000x128xf32, #tpu.memory_space<hbm>>
    tpu.enqueue_indirect_dma source(%dma_start3A_185 : memref<100000x128xf32, #tpu.memory_space<hbm>>) target(%arg8 : memref<128x128xf32, #tpu.memory_space<vmem>>) offsets(%dma_start3A_182 : memref<128xi32, #tpu.memory_space<vmem>>) semaphore(%arg11 : memref<!tpu.dma_semaphore, #tpu.memory_space<semaphore_mem>>)
    %dma_wait3A_186 = arith.constant 9 : i32
    %dma_wait3A_187 = arith.constant 0 : i32
    %dma_wait3A_188 = tpu.memref_slice %arg7[%dma_wait3A_186, %dma_wait3A_187] : memref<10x128xi32, #tpu.memory_space<vmem>> -> memref<1x128xi32, #tpu.memory_space<vmem>>
    %dma_wait3A_189 = tpu.memref_squeeze %dma_wait3A_188 : memref<1x128xi32, #tpu.memory_space<vmem>> -> memref<128xi32, #tpu.memory_space<vmem>>
    %dma_wait3A_190 = arith.constant 0 : i32
    %dma_wait3A_191 = arith.constant 0 : i32
    %dma_wait3A_192 = tpu.memref_slice %arg4[%dma_wait3A_190, %dma_wait3A_191] : memref<100000x128xf32, #tpu.memory_space<hbm>> -> memref<100000x128xf32, #tpu.memory_space<hbm>>
    tpu.wait_indirect_dma semaphore(%arg11 : memref<!tpu.dma_semaphore, #tpu.memory_space<semaphore_mem>>) src(%dma_wait3A_192 : memref<100000x128xf32, #tpu.memory_space<hbm>>) dst(%arg8 : memref<128x128xf32, #tpu.memory_space<vmem>>)
    %mul3A_193 = arith.constant 10 : i32
    %mul3A_194 = arith.muli %add3A, %mul3A_193 : i32
    %add3A_195 = arith.constant 9 : i32
    %add3A_196 = arith.addi %mul3A_194, %add3A_195 : i32
    %mul3A_197 = arith.constant 128 : i32
    %mul3A_198 = arith.muli %add3A_196, %mul3A_197 : i32
    "tpu.region"() ({
      %run_scoped3A = tpu.sem_alloc : memref<!tpu.dma_semaphore, #tpu.memory_space<semaphore_mem>>
      %dma_start3A_213 = arith.constant 0 : i32
      %dma_start3A_214 = tpu.memref_slice %arg5[%mul3A_198, %dma_start3A_213] : memref<40960x128xf32, #tpu.memory_space<hbm>> -> memref<128x128xf32, #tpu.memory_space<hbm>>
      %dma_start3A_215 = arith.constant 0 : i32
      %dma_start3A_216 = tpu.memref_slice %arg5[%mul3A_198, %dma_start3A_215] : memref<40960x128xf32, #tpu.memory_space<hbm>> -> memref<128x128xf32, #tpu.memory_space<hbm>>
      tpu.enqueue_dma source(%arg8 : memref<128x128xf32, #tpu.memory_space<vmem>>) target(%dma_start3A_216 : memref<128x128xf32, #tpu.memory_space<hbm>>) target_semaphore(%run_scoped3A : memref<!tpu.dma_semaphore, #tpu.memory_space<semaphore_mem>>)
      %dma_wait3A_217 = arith.constant 0 : i32
      %dma_wait3A_218 = tpu.memref_slice %arg5[%mul3A_198, %dma_wait3A_217] : memref<40960x128xf32, #tpu.memory_space<hbm>> -> memref<128x128xf32, #tpu.memory_space<hbm>>
      %dma_wait3A_219 = arith.constant 0 : i32
      %dma_wait3A_220 = tpu.memref_slice %arg5[%mul3A_198, %dma_wait3A_219] : memref<40960x128xf32, #tpu.memory_space<hbm>> -> memref<128x128xf32, #tpu.memory_space<hbm>>
      tpu.wait_dma2 semaphore(%run_scoped3A : memref<!tpu.dma_semaphore, #tpu.memory_space<semaphore_mem>>) src(%arg8 : memref<128x128xf32, #tpu.memory_space<vmem>>) dst(%dma_wait3A_220 : memref<128x128xf32, #tpu.memory_space<hbm>>)
      tpu.yield
    }) : () -> ()
    "tpu.region"() ({
      %run_scoped3A = tpu.sem_alloc : memref<!tpu.dma_semaphore, #tpu.memory_space<semaphore_mem>>
      %dma_start3A_213 = arith.constant 0 : i32
      %dma_start3A_214 = arith.constant 0 : i32
      %dma_start3A_215 = tpu.memref_slice %arg3[%add3A, %dma_start3A_213, %dma_start3A_214] : memref<32x79x128xi32, #tpu.memory_space<hbm>> -> memref<1x79x128xi32, #tpu.memory_space<hbm>>
      %dma_start3A_216 = tpu.memref_squeeze %dma_start3A_215 : memref<1x79x128xi32, #tpu.memory_space<hbm>> -> memref<79x128xi32, #tpu.memory_space<hbm>>
      %dma_start3A_217 = arith.constant 0 : i32
      %dma_start3A_218 = arith.constant 0 : i32
      %dma_start3A_219 = tpu.memref_slice %arg3[%add3A, %dma_start3A_217, %dma_start3A_218] : memref<32x79x128xi32, #tpu.memory_space<hbm>> -> memref<1x79x128xi32, #tpu.memory_space<hbm>>
      %dma_start3A_220 = tpu.memref_squeeze %dma_start3A_219 : memref<1x79x128xi32, #tpu.memory_space<hbm>> -> memref<79x128xi32, #tpu.memory_space<hbm>>
      tpu.enqueue_dma source(%dma_start3A_220 : memref<79x128xi32, #tpu.memory_space<hbm>>) target(%arg9 : memref<79x128xi32, #tpu.memory_space<vmem>>) target_semaphore(%run_scoped3A : memref<!tpu.dma_semaphore, #tpu.memory_space<semaphore_mem>>)
      %dma_wait3A_221 = arith.constant 0 : i32
      %dma_wait3A_222 = arith.constant 0 : i32
      %dma_wait3A_223 = tpu.memref_slice %arg3[%add3A, %dma_wait3A_221, %dma_wait3A_222] : memref<32x79x128xi32, #tpu.memory_space<hbm>> -> memref<1x79x128xi32, #tpu.memory_space<hbm>>
      %dma_wait3A_224 = tpu.memref_squeeze %dma_wait3A_223 : memref<1x79x128xi32, #tpu.memory_space<hbm>> -> memref<79x128xi32, #tpu.memory_space<hbm>>
      %dma_wait3A_225 = arith.constant 0 : i32
      %dma_wait3A_226 = arith.constant 0 : i32
      %dma_wait3A_227 = tpu.memref_slice %arg3[%add3A, %dma_wait3A_225, %dma_wait3A_226] : memref<32x79x128xi32, #tpu.memory_space<hbm>> -> memref<1x79x128xi32, #tpu.memory_space<hbm>>
      %dma_wait3A_228 = tpu.memref_squeeze %dma_wait3A_227 : memref<1x79x128xi32, #tpu.memory_space<hbm>> -> memref<79x128xi32, #tpu.memory_space<hbm>>
      tpu.wait_dma2 semaphore(%run_scoped3A : memref<!tpu.dma_semaphore, #tpu.memory_space<semaphore_mem>>) src(%dma_wait3A_228 : memref<79x128xi32, #tpu.memory_space<hbm>>) dst(%arg9 : memref<79x128xi32, #tpu.memory_space<vmem>>)
      tpu.yield
    }) : () -> ()
    %broadcast_in_dim3A = arith.constant 0.000000e+00 : f32
    %broadcast_in_dim3A_199 = vector.broadcast %broadcast_in_dim3A : f32 to vector<16xf32>
    %broadcast_in_dim3A_200 = arith.constant 1.000000e+00 : f32
    %broadcast_in_dim3A_201 = vector.broadcast %broadcast_in_dim3A_200 : f32 to vector<16xf32>
    %scan3A = arith.constant 0 : i32
    %scan3A_202 = arith.constant 0 : i32
    %scan3A_203 = arith.constant 79 : i32
    %scan3A_204 = arith.addi %scan3A_202, %scan3A_203 : i32
    %scan3A_205 = arith.constant 1 : i32
    scf.for %scan3A_213 = %scan3A_202 to %scan3A_204 step %scan3A_205  : i32 {
      %swap3A = arith.index_cast %scan3A_213 : i32 to index
      %swap3A_214 = arith.constant 0 : index
      %swap3A_215 = tpu.vector_load %arg10[%swap3A, %swap3A_214] {strides = array<i32>} : memref<79x128xf32, #tpu.memory_space<vmem>>, vector<16xf32>,
      tpu.vector_store %arg10[%swap3A, %swap3A_214], %broadcast_in_dim3A_199 {strides = array<i32>} : memref<79x128xf32, #tpu.memory_space<vmem>>, vector<16xf32>,
      %swap3A_216 = arith.index_cast %scan3A_213 : i32 to index
      %swap3A_217 = arith.constant 16 : index
      %swap3A_218 = tpu.vector_load %arg10[%swap3A_216, %swap3A_217] {strides = array<i32>} : memref<79x128xf32, #tpu.memory_space<vmem>>, vector<16xf32>,
      tpu.vector_store %arg10[%swap3A_216, %swap3A_217], %broadcast_in_dim3A_199 {strides = array<i32>} : memref<79x128xf32, #tpu.memory_space<vmem>>, vector<16xf32>,
      %swap3A_219 = arith.index_cast %scan3A_213 : i32 to index
      %swap3A_220 = arith.constant 32 : index
      %swap3A_221 = tpu.vector_load %arg10[%swap3A_219, %swap3A_220] {strides = array<i32>} : memref<79x128xf32, #tpu.memory_space<vmem>>, vector<16xf32>,
      tpu.vector_store %arg10[%swap3A_219, %swap3A_220], %broadcast_in_dim3A_199 {strides = array<i32>} : memref<79x128xf32, #tpu.memory_space<vmem>>, vector<16xf32>,
      %swap3A_222 = arith.index_cast %scan3A_213 : i32 to index
      %swap3A_223 = arith.constant 48 : index
      %swap3A_224 = tpu.vector_load %arg10[%swap3A_222, %swap3A_223] {strides = array<i32>} : memref<79x128xf32, #tpu.memory_space<vmem>>, vector<16xf32>,
      tpu.vector_store %arg10[%swap3A_222, %swap3A_223], %broadcast_in_dim3A_199 {strides = array<i32>} : memref<79x128xf32, #tpu.memory_space<vmem>>, vector<16xf32>,
      %swap3A_225 = arith.index_cast %scan3A_213 : i32 to index
      %swap3A_226 = arith.constant 64 : index
      %swap3A_227 = tpu.vector_load %arg10[%swap3A_225, %swap3A_226] {strides = array<i32>} : memref<79x128xf32, #tpu.memory_space<vmem>>, vector<16xf32>,
      tpu.vector_store %arg10[%swap3A_225, %swap3A_226], %broadcast_in_dim3A_199 {strides = array<i32>} : memref<79x128xf32, #tpu.memory_space<vmem>>, vector<16xf32>,
      %swap3A_228 = arith.index_cast %scan3A_213 : i32 to index
      %swap3A_229 = arith.constant 80 : index
      %swap3A_230 = tpu.vector_load %arg10[%swap3A_228, %swap3A_229] {strides = array<i32>} : memref<79x128xf32, #tpu.memory_space<vmem>>, vector<16xf32>,
      tpu.vector_store %arg10[%swap3A_228, %swap3A_229], %broadcast_in_dim3A_199 {strides = array<i32>} : memref<79x128xf32, #tpu.memory_space<vmem>>, vector<16xf32>,
      %swap3A_231 = arith.index_cast %scan3A_213 : i32 to index
      %swap3A_232 = arith.constant 96 : index
      %swap3A_233 = tpu.vector_load %arg10[%swap3A_231, %swap3A_232] {strides = array<i32>} : memref<79x128xf32, #tpu.memory_space<vmem>>, vector<16xf32>,
      tpu.vector_store %arg10[%swap3A_231, %swap3A_232], %broadcast_in_dim3A_199 {strides = array<i32>} : memref<79x128xf32, #tpu.memory_space<vmem>>, vector<16xf32>,
      %swap3A_234 = arith.index_cast %scan3A_213 : i32 to index
      %swap3A_235 = arith.constant 112 : index
      %swap3A_236 = tpu.vector_load %arg10[%swap3A_234, %swap3A_235] {strides = array<i32>} : memref<79x128xf32, #tpu.memory_space<vmem>>, vector<16xf32>,
      tpu.vector_store %arg10[%swap3A_234, %swap3A_235], %broadcast_in_dim3A_199 {strides = array<i32>} : memref<79x128xf32, #tpu.memory_space<vmem>>, vector<16xf32>,
    }
    %scan3A_206 = arith.constant 79 : i32
    %scan3A_207 = arith.constant 0 : i32
    %scan3A_208 = arith.constant 0 : i32
    %scan3A_209 = arith.constant 79 : i32
    %scan3A_210 = arith.addi %scan3A_208, %scan3A_209 : i32
    %scan3A_211 = arith.constant 1 : i32
    scf.for %scan3A_213 = %scan3A_208 to %scan3A_210 step %scan3A_211  : i32 {
      %get3A = arith.index_cast %scan3A_213 : i32 to index
      %get3A_214 = arith.constant 0 : index
      %get3A_215 = tpu.vector_load %arg9[%get3A, %get3A_214] {strides = array<i32>} : memref<79x128xi32, #tpu.memory_space<vmem>>, vector<16xi32>,
      %shift_right_logical3A = arith.constant 7 : i32
      %shift_right_logical3A_216 = vector.broadcast %shift_right_logical3A : i32 to vector<16xi32>
      %shift_right_logical3A_217 = arith.shrui %get3A_215, %shift_right_logical3A_216 : vector<16xi32>
      %and3A = arith.constant 127 : i32
      %and3A_218 = vector.broadcast %and3A : i32 to vector<16xi32>
      %and3A_219 = arith.andi %get3A_215, %and3A_218 : vector<16xi32>
      tpu.vector_store_idx %arg10[%shift_right_logical3A_217, %and3A_219], %broadcast_in_dim3A_201 {add = true} : memref<79x128xf32, #tpu.memory_space<vmem>>[vector<16xi32>, vector<16xi32>], vector<16xf32>,
      %get3A_220 = arith.index_cast %scan3A_213 : i32 to index
      %get3A_221 = arith.constant 16 : index
      %get3A_222 = tpu.vector_load %arg9[%get3A_220, %get3A_221] {strides = array<i32>} : memref<79x128xi32, #tpu.memory_space<vmem>>, vector<16xi32>,
      %shift_right_logical3A_223 = arith.constant 7 : i32
      %shift_right_logical3A_224 = vector.broadcast %shift_right_logical3A_223 : i32 to vector<16xi32>
      %shift_right_logical3A_225 = arith.shrui %get3A_222, %shift_right_logical3A_224 : vector<16xi32>
      %and3A_226 = arith.constant 127 : i32
      %and3A_227 = vector.broadcast %and3A_226 : i32 to vector<16xi32>
      %and3A_228 = arith.andi %get3A_222, %and3A_227 : vector<16xi32>
      tpu.vector_store_idx %arg10[%shift_right_logical3A_225, %and3A_228], %broadcast_in_dim3A_201 {add = true} : memref<79x128xf32, #tpu.memory_space<vmem>>[vector<16xi32>, vector<16xi32>], vector<16xf32>,
      %get3A_229 = arith.index_cast %scan3A_213 : i32 to index
      %get3A_230 = arith.constant 32 : index
      %get3A_231 = tpu.vector_load %arg9[%get3A_229, %get3A_230] {strides = array<i32>} : memref<79x128xi32, #tpu.memory_space<vmem>>, vector<16xi32>,
      %shift_right_logical3A_232 = arith.constant 7 : i32
      %shift_right_logical3A_233 = vector.broadcast %shift_right_logical3A_232 : i32 to vector<16xi32>
      %shift_right_logical3A_234 = arith.shrui %get3A_231, %shift_right_logical3A_233 : vector<16xi32>
      %and3A_235 = arith.constant 127 : i32
      %and3A_236 = vector.broadcast %and3A_235 : i32 to vector<16xi32>
      %and3A_237 = arith.andi %get3A_231, %and3A_236 : vector<16xi32>
      tpu.vector_store_idx %arg10[%shift_right_logical3A_234, %and3A_237], %broadcast_in_dim3A_201 {add = true} : memref<79x128xf32, #tpu.memory_space<vmem>>[vector<16xi32>, vector<16xi32>], vector<16xf32>,
      %get3A_238 = arith.index_cast %scan3A_213 : i32 to index
      %get3A_239 = arith.constant 48 : index
      %get3A_240 = tpu.vector_load %arg9[%get3A_238, %get3A_239] {strides = array<i32>} : memref<79x128xi32, #tpu.memory_space<vmem>>, vector<16xi32>,
      %shift_right_logical3A_241 = arith.constant 7 : i32
      %shift_right_logical3A_242 = vector.broadcast %shift_right_logical3A_241 : i32 to vector<16xi32>
      %shift_right_logical3A_243 = arith.shrui %get3A_240, %shift_right_logical3A_242 : vector<16xi32>
      %and3A_244 = arith.constant 127 : i32
      %and3A_245 = vector.broadcast %and3A_244 : i32 to vector<16xi32>
      %and3A_246 = arith.andi %get3A_240, %and3A_245 : vector<16xi32>
      tpu.vector_store_idx %arg10[%shift_right_logical3A_243, %and3A_246], %broadcast_in_dim3A_201 {add = true} : memref<79x128xf32, #tpu.memory_space<vmem>>[vector<16xi32>, vector<16xi32>], vector<16xf32>,
      %get3A_247 = arith.index_cast %scan3A_213 : i32 to index
      %get3A_248 = arith.constant 64 : index
      %get3A_249 = tpu.vector_load %arg9[%get3A_247, %get3A_248] {strides = array<i32>} : memref<79x128xi32, #tpu.memory_space<vmem>>, vector<16xi32>,
      %shift_right_logical3A_250 = arith.constant 7 : i32
      %shift_right_logical3A_251 = vector.broadcast %shift_right_logical3A_250 : i32 to vector<16xi32>
      %shift_right_logical3A_252 = arith.shrui %get3A_249, %shift_right_logical3A_251 : vector<16xi32>
      %and3A_253 = arith.constant 127 : i32
      %and3A_254 = vector.broadcast %and3A_253 : i32 to vector<16xi32>
      %and3A_255 = arith.andi %get3A_249, %and3A_254 : vector<16xi32>
      tpu.vector_store_idx %arg10[%shift_right_logical3A_252, %and3A_255], %broadcast_in_dim3A_201 {add = true} : memref<79x128xf32, #tpu.memory_space<vmem>>[vector<16xi32>, vector<16xi32>], vector<16xf32>,
      %get3A_256 = arith.index_cast %scan3A_213 : i32 to index
      %get3A_257 = arith.constant 80 : index
      %get3A_258 = tpu.vector_load %arg9[%get3A_256, %get3A_257] {strides = array<i32>} : memref<79x128xi32, #tpu.memory_space<vmem>>, vector<16xi32>,
      %shift_right_logical3A_259 = arith.constant 7 : i32
      %shift_right_logical3A_260 = vector.broadcast %shift_right_logical3A_259 : i32 to vector<16xi32>
      %shift_right_logical3A_261 = arith.shrui %get3A_258, %shift_right_logical3A_260 : vector<16xi32>
      %and3A_262 = arith.constant 127 : i32
      %and3A_263 = vector.broadcast %and3A_262 : i32 to vector<16xi32>
      %and3A_264 = arith.andi %get3A_258, %and3A_263 : vector<16xi32>
      tpu.vector_store_idx %arg10[%shift_right_logical3A_261, %and3A_264], %broadcast_in_dim3A_201 {add = true} : memref<79x128xf32, #tpu.memory_space<vmem>>[vector<16xi32>, vector<16xi32>], vector<16xf32>,
      %get3A_265 = arith.index_cast %scan3A_213 : i32 to index
      %get3A_266 = arith.constant 96 : index
      %get3A_267 = tpu.vector_load %arg9[%get3A_265, %get3A_266] {strides = array<i32>} : memref<79x128xi32, #tpu.memory_space<vmem>>, vector<16xi32>,
      %shift_right_logical3A_268 = arith.constant 7 : i32
      %shift_right_logical3A_269 = vector.broadcast %shift_right_logical3A_268 : i32 to vector<16xi32>
      %shift_right_logical3A_270 = arith.shrui %get3A_267, %shift_right_logical3A_269 : vector<16xi32>
      %and3A_271 = arith.constant 127 : i32
      %and3A_272 = vector.broadcast %and3A_271 : i32 to vector<16xi32>
      %and3A_273 = arith.andi %get3A_267, %and3A_272 : vector<16xi32>
      tpu.vector_store_idx %arg10[%shift_right_logical3A_270, %and3A_273], %broadcast_in_dim3A_201 {add = true} : memref<79x128xf32, #tpu.memory_space<vmem>>[vector<16xi32>, vector<16xi32>], vector<16xf32>,
      %get3A_274 = arith.index_cast %scan3A_213 : i32 to index
      %get3A_275 = arith.constant 112 : index
      %get3A_276 = tpu.vector_load %arg9[%get3A_274, %get3A_275] {strides = array<i32>} : memref<79x128xi32, #tpu.memory_space<vmem>>, vector<16xi32>,
      %shift_right_logical3A_277 = arith.constant 7 : i32
      %shift_right_logical3A_278 = vector.broadcast %shift_right_logical3A_277 : i32 to vector<16xi32>
      %shift_right_logical3A_279 = arith.shrui %get3A_276, %shift_right_logical3A_278 : vector<16xi32>
      %and3A_280 = arith.constant 127 : i32
      %and3A_281 = vector.broadcast %and3A_280 : i32 to vector<16xi32>
      %and3A_282 = arith.andi %get3A_276, %and3A_281 : vector<16xi32>
      tpu.vector_store_idx %arg10[%shift_right_logical3A_279, %and3A_282], %broadcast_in_dim3A_201 {add = true} : memref<79x128xf32, #tpu.memory_space<vmem>>[vector<16xi32>, vector<16xi32>], vector<16xf32>,
    }
    %scan3A_212 = arith.constant 79 : i32
    "tpu.region"() ({
      %run_scoped3A = tpu.sem_alloc : memref<!tpu.dma_semaphore, #tpu.memory_space<semaphore_mem>>
      %dma_start3A_213 = arith.constant 0 : i32
      %dma_start3A_214 = arith.constant 0 : i32
      %dma_start3A_215 = tpu.memref_slice %arg6[%add3A, %dma_start3A_213, %dma_start3A_214] : memref<32x79x128xf32, #tpu.memory_space<hbm>> -> memref<1x79x128xf32, #tpu.memory_space<hbm>>
      %dma_start3A_216 = tpu.memref_squeeze %dma_start3A_215 : memref<1x79x128xf32, #tpu.memory_space<hbm>> -> memref<79x128xf32, #tpu.memory_space<hbm>>
      %dma_start3A_217 = arith.constant 0 : i32
      %dma_start3A_218 = arith.constant 0 : i32
      %dma_start3A_219 = tpu.memref_slice %arg6[%add3A, %dma_start3A_217, %dma_start3A_218] : memref<32x79x128xf32, #tpu.memory_space<hbm>> -> memref<1x79x128xf32, #tpu.memory_space<hbm>>
      %dma_start3A_220 = tpu.memref_squeeze %dma_start3A_219 : memref<1x79x128xf32, #tpu.memory_space<hbm>> -> memref<79x128xf32, #tpu.memory_space<hbm>>
      tpu.enqueue_dma source(%arg10 : memref<79x128xf32, #tpu.memory_space<vmem>>) target(%dma_start3A_220 : memref<79x128xf32, #tpu.memory_space<hbm>>) target_semaphore(%run_scoped3A : memref<!tpu.dma_semaphore, #tpu.memory_space<semaphore_mem>>)
      %dma_wait3A_221 = arith.constant 0 : i32
      %dma_wait3A_222 = arith.constant 0 : i32
      %dma_wait3A_223 = tpu.memref_slice %arg6[%add3A, %dma_wait3A_221, %dma_wait3A_222] : memref<32x79x128xf32, #tpu.memory_space<hbm>> -> memref<1x79x128xf32, #tpu.memory_space<hbm>>
      %dma_wait3A_224 = tpu.memref_squeeze %dma_wait3A_223 : memref<1x79x128xf32, #tpu.memory_space<hbm>> -> memref<79x128xf32, #tpu.memory_space<hbm>>
      %dma_wait3A_225 = arith.constant 0 : i32
      %dma_wait3A_226 = arith.constant 0 : i32
      %dma_wait3A_227 = tpu.memref_slice %arg6[%add3A, %dma_wait3A_225, %dma_wait3A_226] : memref<32x79x128xf32, #tpu.memory_space<hbm>> -> memref<1x79x128xf32, #tpu.memory_space<hbm>>
      %dma_wait3A_228 = tpu.memref_squeeze %dma_wait3A_227 : memref<1x79x128xf32, #tpu.memory_space<hbm>> -> memref<79x128xf32, #tpu.memory_space<hbm>>
      tpu.wait_dma2 semaphore(%run_scoped3A : memref<!tpu.dma_semaphore, #tpu.memory_space<semaphore_mem>>) src(%arg10 : memref<79x128xf32, #tpu.memory_space<vmem>>) dst(%dma_wait3A_228 : memref<79x128xf32, #tpu.memory_space<hbm>>)
      tpu.yield
    }) : () -> ()
    return
  }
}

module attributes {stable_mosaic.version = 14 : i64} {
  func.func @body(%arg0: i32, %arg1: memref<4096x128xf32, #tpu.memory_space<vmem>>, %arg2: memref<128x8xf32, #tpu.memory_space<vmem>>, %arg3: memref<4096x8xf32, #tpu.memory_space<vmem>>) attributes {dimension_semantics = [#tpu.dimension_semantics<arbitrary>], iteration_bounds = array<i64: 10>, scalar_prefetch = 0 : i64, scratch_operands = 0 : i64, tpu.core_type = #tpu.core_type<tc>, window_params = [{transform_indices = @transform_0, window_bounds = array<i64: 4096, 128>}, {pipeline_mode = #tpu.pipeline_mode<synchronous>, transform_indices = @transform_1, window_bounds = array<i64: 128, 8>}, {transform_indices = @transform_2, window_bounds = array<i64: 4096, 8>}]} {
    %get3A = arith.constant 0 : index
    %get3A_0 = arith.constant 0 : index
    %get3A_1 = vector.load %arg1[%get3A, %get3A_0] : memref<4096x128xf32, #tpu.memory_space<vmem>>, vector<4096x128xf32>
    %get3A_2 = arith.constant 0 : index
    %get3A_3 = arith.constant 0 : index
    %get3A_4 = vector.load %arg2[%get3A_2, %get3A_3] : memref<128x8xf32, #tpu.memory_space<vmem>>, vector<128x8xf32>
    %dot_general3A = arith.constant dense<0.000000e+00> : vector<4096x8xf32>
    %dot_general3A_5 = tpu.matmul %get3A_1, %get3A_4, %dot_general3A {dimension_numbers = #tpu.dot_dimension_numbers<[1], [0], [0], [1], [0, 0, 1, 1], [], []>, transpose_lhs_hint = false} : vector<4096x128xf32>, vector<128x8xf32>, vector<4096x8xf32> -> vector<4096x8xf32>
    %swap3A = arith.constant 0 : index
    %swap3A_6 = arith.constant 0 : index
    %swap3A_7 = vector.load %arg3[%swap3A, %swap3A_6] : memref<4096x8xf32, #tpu.memory_space<vmem>>, vector<4096x8xf32>
    tpu.vector_store %arg3[%swap3A, %swap3A_6], %dot_general3A_5 {strides = array<i32>} : memref<4096x8xf32, #tpu.memory_space<vmem>>, vector<4096x8xf32>,
    return
  }
  func.func @transform_0(%arg0: i32) -> (i32, i32) {
    %c0_i32 = arith.constant 0 : i32
    %c0_i32_0 = arith.constant 0 : i32
    return %arg0, %c0_i32 : i32, i32
  }
  func.func @transform_1(%arg0: i32) -> (i32, i32) {
    %c0_i32 = arith.constant 0 : i32
    %c0_i32_0 = arith.constant 0 : i32
    %c0_i32_1 = arith.constant 0 : i32
    return %c0_i32, %c0_i32_0 : i32, i32
  }
  func.func @transform_2(%arg0: i32) -> (i32, i32) {
    %c0_i32 = arith.constant 0 : i32
    %c0_i32_0 = arith.constant 0 : i32
    return %arg0, %c0_i32 : i32, i32
  }
}

module attributes {stable_mosaic.version = 14 : i64} {
  func.func @body(%arg0: i32, %arg1: memref<1x8x10000xf32, #tpu.memory_space<vmem>>, %arg2: memref<1x10000x128xf32, #tpu.memory_space<vmem>>, %arg3: memref<1x10000x128xf32, #tpu.memory_space<vmem>>, %arg4: memref<1x8x10000xf32, #tpu.memory_space<vmem>>, %arg5: memref<1x8x128xf32, #tpu.memory_space<vmem>>) attributes {dimension_semantics = [#tpu.dimension_semantics<arbitrary>], iteration_bounds = array<i64: 4>, scalar_prefetch = 0 : i64, scratch_operands = 0 : i64, tpu.core_type = #tpu.core_type<tc>, window_params = [{transform_indices = @transform_0, window_bounds = array<i64: 1, 8, 10000>}, {transform_indices = @transform_1, window_bounds = array<i64: 1, 10000, 128>}, {transform_indices = @transform_2, window_bounds = array<i64: 1, 10000, 128>}, {transform_indices = @transform_3, window_bounds = array<i64: 1, 8, 10000>}, {transform_indices = @transform_4, window_bounds = array<i64: 1, 8, 128>}]} {
    %get3A = arith.constant 0 : index
    %get3A_0 = arith.constant 0 : index
    %get3A_1 = arith.constant 0 : index
    %get3A_2 = vector.load %arg1[%get3A, %get3A_0, %get3A_1] : memref<1x8x10000xf32, #tpu.memory_space<vmem>>, vector<1x8x10000xf32>
    %get3A_3 = vector.shape_cast %get3A_2 : vector<1x8x10000xf32> to vector<8x10000xf32>
    %reduce_max3A = arith.constant dense<0xFF800000> : vector<8xf32>
    %reduce_max3A_4 = vector.multi_reduction <maximumf>, %get3A_3, %reduce_max3A [1] : vector<8x10000xf32> to vector<8xf32>
    %broadcast_in_dim3A = vector.shape_cast %reduce_max3A_4 : vector<8xf32> to vector<8x1xf32>
    %sub3A = vector.broadcast %broadcast_in_dim3A : vector<8x1xf32> to vector<8x10000xf32>
    %sub3A_5 = arith.subf %get3A_3, %sub3A : vector<8x10000xf32>
    %exp3A = math.exp %sub3A_5 : vector<8x10000xf32>
    %reduce_sum3A = arith.constant dense<0.000000e+00> : vector<8xf32>
    %reduce_sum3A_6 = vector.multi_reduction <add>, %exp3A, %reduce_sum3A [1] : vector<8x10000xf32> to vector<8xf32>
    %broadcast_in_dim3A_7 = vector.shape_cast %reduce_sum3A_6 : vector<8xf32> to vector<8x1xf32>
    %div3A = vector.broadcast %broadcast_in_dim3A_7 : vector<8x1xf32> to vector<8x10000xf32>
    %div3A_8 = arith.divf %exp3A, %div3A : vector<8x10000xf32>
    %swap3A = arith.constant 0 : index
    %swap3A_9 = arith.constant 0 : index
    %swap3A_10 = arith.constant 0 : index
    %swap3A_11 = vector.load %arg4[%swap3A, %swap3A_9, %swap3A_10] : memref<1x8x10000xf32, #tpu.memory_space<vmem>>, vector<1x8x10000xf32>
    %swap3A_12 = vector.shape_cast %swap3A_11 : vector<1x8x10000xf32> to vector<8x10000xf32>
    %swap3A_13 = vector.shape_cast %div3A_8 : vector<8x10000xf32> to vector<1x8x10000xf32>
    tpu.vector_store %arg4[%swap3A, %swap3A_9, %swap3A_10], %swap3A_13 {strides = array<i32>} : memref<1x8x10000xf32, #tpu.memory_space<vmem>>, vector<1x8x10000xf32>,
    %get3A_14 = arith.constant 0 : index
    %get3A_15 = arith.constant 0 : index
    %get3A_16 = arith.constant 0 : index
    %get3A_17 = vector.load %arg2[%get3A_14, %get3A_15, %get3A_16] : memref<1x10000x128xf32, #tpu.memory_space<vmem>>, vector<1x10000x128xf32>
    %get3A_18 = vector.shape_cast %get3A_17 : vector<1x10000x128xf32> to vector<10000x128xf32>
    %get3A_19 = arith.constant 0 : index
    %get3A_20 = arith.constant 0 : index
    %get3A_21 = arith.constant 0 : index
    %get3A_22 = vector.load %arg3[%get3A_19, %get3A_20, %get3A_21] : memref<1x10000x128xf32, #tpu.memory_space<vmem>>, vector<1x10000x128xf32>
    %get3A_23 = vector.shape_cast %get3A_22 : vector<1x10000x128xf32> to vector<10000x128xf32>
    %add3A = arith.addf %get3A_18, %get3A_23 : vector<10000x128xf32>
    %dot_general3A = arith.constant dense<0.000000e+00> : vector<8x128xf32>
    %dot_general3A_24 = tpu.matmul %div3A_8, %add3A, %dot_general3A {dimension_numbers = #tpu.dot_dimension_numbers<[1], [0], [0], [1], [0, 0, 1, 1], [], []>, transpose_lhs_hint = false} : vector<8x10000xf32>, vector<10000x128xf32>, vector<8x128xf32> -> vector<8x128xf32>
    %swap3A_25 = arith.constant 0 : index
    %swap3A_26 = arith.constant 0 : index
    %swap3A_27 = arith.constant 0 : index
    %swap3A_28 = vector.load %arg5[%swap3A_25, %swap3A_26, %swap3A_27] : memref<1x8x128xf32, #tpu.memory_space<vmem>>, vector<1x8x128xf32>
    %swap3A_29 = vector.shape_cast %swap3A_28 : vector<1x8x128xf32> to vector<8x128xf32>
    %swap3A_30 = vector.shape_cast %dot_general3A_24 : vector<8x128xf32> to vector<1x8x128xf32>
    tpu.vector_store %arg5[%swap3A_25, %swap3A_26, %swap3A_27], %swap3A_30 {strides = array<i32>} : memref<1x8x128xf32, #tpu.memory_space<vmem>>, vector<1x8x128xf32>,
    return
  }
  func.func @transform_0(%arg0: i32) -> (i32, i32, i32) {
    %c0_i32 = arith.constant 0 : i32
    %c0_i32_0 = arith.constant 0 : i32
    %c0_i32_1 = arith.constant 0 : i32
    return %arg0, %c0_i32, %c0_i32_0 : i32, i32, i32
  }
  func.func @transform_1(%arg0: i32) -> (i32, i32, i32) {
    %c0_i32 = arith.constant 0 : i32
    %c0_i32_0 = arith.constant 0 : i32
    %c0_i32_1 = arith.constant 0 : i32
    return %arg0, %c0_i32, %c0_i32_0 : i32, i32, i32
  }
  func.func @transform_2(%arg0: i32) -> (i32, i32, i32) {
    %c0_i32 = arith.constant 0 : i32
    %c0_i32_0 = arith.constant 0 : i32
    %c0_i32_1 = arith.constant 0 : i32
    return %arg0, %c0_i32, %c0_i32_0 : i32, i32, i32
  }
  func.func @transform_3(%arg0: i32) -> (i32, i32, i32) {
    %c0_i32 = arith.constant 0 : i32
    %c0_i32_0 = arith.constant 0 : i32
    %c0_i32_1 = arith.constant 0 : i32
    return %arg0, %c0_i32, %c0_i32_0 : i32, i32, i32
  }
  func.func @transform_4(%arg0: i32) -> (i32, i32, i32) {
    %c0_i32 = arith.constant 0 : i32
    %c0_i32_0 = arith.constant 0 : i32
    %c0_i32_1 = arith.constant 0 : i32
    return %arg0, %c0_i32, %c0_i32_0 : i32, i32, i32
  }
}

</mosaic_0001>

<sc_bundles>
// kernel: kernel.6.cloned.1.call-start
scs
__scs_entry_jumppad:
0x0: {  	(pc) =	sbr.rel $0x88, $3  }
0x1: {  	(tag) =	ssettag $0x0;
	lr =	simm.s32 $0x1  }
0x2: {  	[smem:$0x3F9A] =	sst lr;
	_ =	strace $0xD0000000  }
0x3: {  	_ = 	snop  }
0x4: {  	_ = 	snop  }
0x5: {  	_ = 	snop  }
0x6: {  	_ = 	snop  }
0x7: {  	_ = 	snop  }
__scs_overlays_trampoline_lowered:
0x8: {  	[smem:$0x3FA9] =	sst s0  }
0x9: {  	[smem:$0x3FAA] =	sst s1  }
0xa: {  	[smem:$0x3FAB] =	sst s2  }
0xb: {  	[smem:$0x3FAC] =	sst s3  }
0xc: {  	[smem:$0x3FAD] =	sst s4  }
0xd: {  	[smem:$0x3FAE] =	sst s5  }
0xe: {  	[smem:$0x3FAF] =	sst s6  }
0xf: {  	[smem:$0x3FB0] =	sst s7  }
0x10: {  	[smem:$0x3FB1] =	sst s8  }
0x11: {  	[smem:$0x3FB2] =	sst s9;
	s0 =	simm.s32 @!p0 $0x0  }
0x12: {  	s1 =	sld [smem:$0x3F98];
	s0 =	simm.s32 @p0 $0x1  }
0x13: {  	[smem:$0x3FB3] =	sst s0;
	s0 =	simm.s32 @!p1 $0x0  }
0x14: {  	s2 =	sld [smem:$0x3F97];
	s0 =	simm.s32 @p1 $0x1  }
0x15: {  	[smem:$0x3FB4] =	sst s0;
	s0 =	simm.s32 @!p2 $0x0  }
0x16: {  	s3 =	sld [smem:$0x3FDB];
	s0 =	simm.s32 @p2 $0x1  }
0x17: {  	s4 =	simm.s32 $0x1BF5;
	[smem:$0x3FB6] =	sst s0  }
0x18: {  	s0 =	sld [smem:$0x3F99];
	_ =	swait.ge [sflag:s4], $0x0  }
0x19: {  	s7 =	sld [smem:$0x3F9A]  }
0x1a: {  	s8 =	sadd.s32 $0xFFFFE003, lr  }
0x1b: {  	s9 =	sadd.s32 $0xFFFFFEF7, lr;
	s5 =	simm.s32 $0xFFFFFFFF;
	p2 =	slt.u32 s8, $0xFFFFF086  }
0x1c: {  	p1 =	slt.u32 s9, $0xF7A;
	s5 =	simm.s32 @!p2 $0x0  }
0x1d: {  	s5 =	simm.s32 @p1 $0x1;
	p0 =	seq.s32 s7, s2  }
0x1e: {  	s7 =	smul.u32 @!p0 $0xF7A, s2;
	p2 =	seq.s32 @!p0 s5, $0x0  }
0x1f: {  	s9 =	smul.u32 $0xF7A, s1;
	s8 =	simm.s32 @!p0 $0x1BF5;
	p2 =	por !p2, p0  }
0x20: {  	[sflag:s8] =	ssyncset.s32 @!p0 $0xFFFFF086;
	s6 =	sadd.s32 @!p0 s3, s7;
	s7 =	simm.s32 @!p0 $0x108  }
0x21: {  	s3 =	sadd.s32 s3, s9;
	s6 =	sadd.s32 @!p0 $0x88, s6;
	s7 =	simm.s32 @p2 $0x1082  }
0x22: {  	[simem:s7], [sflag:s8] =	dma.local @!p0 [hbm:s6], $0xF7A  }
0x23: {  	s9 =	sor.u32 $0xD0000000, s2;
	s6 =	simm.s32 $0x108;
	_ =	swait.ge @!p0 [sflag:s8], $0x0  }
0x24: {  	s3 =	sadd.s32 $0x88, s3;
	s6 =	simm.s32 @!p1 $0x1082;
	[sflag:s4] =	ssyncset.s32 $0xFFFFF086  }
0x25: {  	[simem:s6], [sflag:s4] =	dma.local [hbm:s3], $0xF7A  }
0x26: {  	[smem:$0x3F9A] =	sst s1;
	(tag) =	ssettag s2;
	_ =	strace s9  }
0x27: {  	s1 =	sld [smem:$0x3FAA]  }
0x28: {  	s2 =	sld [smem:$0x3FAB]  }
0x29: {  	s4 =	sld [smem:$0x3FAD]  }
0x2a: {  	p0 =	seq.s32 s5, $0x0;
	s5 =	sld [smem:$0x3FAE]  }
0x2b: {  	s6 =	sld [smem:$0x3FAF]  }
0x2c: {  	s7 =	sld [smem:$0x3FB0]  }
0x2d: {  	s3 =	simm.s32 $0x108;
	s8 =	sld [smem:$0x3FB1]  }
0x2e: {  	s3 =	simm.s32 @!p0 $0x1082;
	s9 =	sld [smem:$0x3FB2]  }
0x2f: {  	lr =	sadd.s32 s0, s3;
	s0 =	sld [smem:$0x3FA9]  }
0x30: {  	s3 =	sld [smem:$0x3FAC]  }
0x31: {  	[smem:$0x3FB5] =	sst s10  }
0x32: {  	s10 =	sld [smem:$0x3FB3];
	_ =	sdelay $0x3  }
0x33: {  	p0 =	seq.s32 s10, $0x1;
	s10 =	sld [smem:$0x3FB5];
	_ =	sdelay $0x3  }
0x34: {  	[smem:$0x3FB5] =	sst s10  }
0x35: {  	s10 =	sld [smem:$0x3FB4];
	_ =	sdelay $0x3  }
0x36: {  	p1 =	seq.s32 s10, $0x1;
	s10 =	sld [smem:$0x3FB5];
	_ =	sdelay $0x3  }
0x37: {  	[smem:$0x3FB5] =	sst s10  }
0x38: {  	s10 =	sld [smem:$0x3FB6]  }
0x39: {  	_ = 	snop;
	(pc) =	sbr.ind lr, $3  }
0x3a: {  	_ = 	snop  }
0x3b: {  	_ = 	snop  }
0x3c: {  	p2 =	seq.s32 s10, $0x1;
	s10 =	sld [smem:$0x3FB5]  }
0x3d: {  	_ =	shalt  }
0x3e: {  	_ =	shalt  }
0x3f: {  	_ =	shalt  }
0x40: {  	_ =	shalt  }
0x41: {  	_ =	shalt  }
0x42: {  	_ =	shalt  }
0x43: {  	_ =	shalt  }
0x44: {  	_ =	shalt  }
0x45: {  	_ =	shalt  }
0x46: {  	_ =	shalt  }
0x47: {  	_ =	shalt  }
0x48: {  	_ =	shalt  }
0x49: {  	_ =	shalt  }
0x4a: {  	_ =	shalt  }
0x4b: {  	_ =	shalt  }
0x4c: {  	_ =	shalt  }
0x4d: {  	_ =	shalt  }
0x4e: {  	_ =	shalt  }
0x4f: {  	_ =	shalt  }
0x50: {  	_ =	shalt  }
0x51: {  	_ =	shalt  }
0x52: {  	_ =	shalt  }
0x53: {  	_ =	shalt  }
0x54: {  	_ =	shalt  }
0x55: {  	_ =	shalt  }
0x56: {  	_ =	shalt  }
0x57: {  	_ =	shalt  }
0x58: {  	_ =	shalt  }
0x59: {  	_ =	shalt  }
0x5a: {  	_ =	shalt  }
0x5b: {  	_ =	shalt  }
0x5c: {  	_ =	shalt  }
0x5d: {  	_ =	shalt  }
0x5e: {  	_ =	shalt  }
0x5f: {  	_ =	shalt  }
0x60: {  	_ =	shalt  }
0x61: {  	_ =	shalt  }
0x62: {  	_ =	shalt  }
0x63: {  	_ =	shalt  }
0x64: {  	_ =	shalt  }
0x65: {  	_ =	shalt  }
0x66: {  	_ =	shalt  }
0x67: {  	_ =	shalt  }
0x68: {  	_ =	shalt  }
0x69: {  	_ =	shalt  }
0x6a: {  	_ =	shalt  }
0x6b: {  	_ =	shalt  }
0x6c: {  	_ =	shalt  }
0x6d: {  	_ =	shalt  }
0x6e: {  	_ =	shalt  }
0x6f: {  	_ =	shalt  }
0x70: {  	_ =	shalt  }
0x71: {  	_ =	shalt  }
0x72: {  	_ =	shalt  }
0x73: {  	_ =	shalt  }
0x74: {  	_ =	shalt  }
0x75: {  	_ =	shalt  }
0x76: {  	_ =	shalt  }
0x77: {  	_ =	shalt  }
0x78: {  	_ =	shalt  }
0x79: {  	_ =	shalt  }
0x7a: {  	_ =	shalt  }
0x7b: {  	_ =	shalt  }
0x7c: {  	_ =	shalt  }
0x7d: {  	_ =	shalt  }
0x7e: {  	_ =	shalt  }
0x7f: {  	_ =	shalt  }
0x80: {  	_ =	shalt  }
0x81: {  	_ =	shalt  }
0x82: {  	_ =	shalt  }
0x83: {  	_ =	shalt  }
0x84: {  	_ =	shalt  }
0x85: {  	_ =	shalt  }
0x86: {  	_ =	shalt  }
0x87: {  	_ =	shalt  }
.Lfunc_end0:
.L_simem_size_0:
called_computation_lowered:
.L_overlay_start_0:
0x88: {  	s2 =	sld [smem:$0x3FD9]  }
0x89: {  	s3 =	sld [smem:$0x3FFE];
	_ =	sdelay $0x1  }
0x8a: {  	s1 =	srdreg.scid  }
0x8b: {  	s0 =	sand.u32 $0x1, s1  }
0x8c: {  	s14 =	sshll.u32 s0, $0xA;
	s2 =	sadd.s32 s3, s2  }
0x8d: {  	s2 =	sadd.s32 s2, s14  }
0x8e: {  	[smem:$0x3FC1] =	sst s2  }
0x8f: {  	_ = 	snop  }
0x90: {  	s2 =	sld [smem:$0x3FD0];
	_ =	sdelay $0x2  }
0x91: {  	s4 =	simm.s32 $0xA;
	s5 =	simm.s32 $0x10;
	s15 =	sld [smem:$0x3FC6]  }
0x92: {  	[smem:s5], [sflag:s4] =	dma.local [hbm:s2], $0x1  }
0x93: {  	_ =	swait.eq [sflag:s4], $0x1  }
0x94: {  	[sflag:s4] =	ssyncset.done $0x0  }
0x95: {  	[sflag:s4] =	ssyncadd.s32 $0xFFFFFFFF  }
0x96: {  	s16 =	sld [smem:$0x11];
	(tm) =	ssettm $0x1  }
0x97: {  	s17 =	sld [smem:$0x3FFB];
	_ =	sdelay $0x3  }
0x98: {  	_ =	strace s17  }
0x99: {  	s4 =	sld [smem:$0x3FFC];
	_ =	sdelay $0x3  }
0x9a: {  	_ =	strace s4  }
0x9b: {  	s4 =	sld [smem:$0x3FFD];
	_ =	sdelay $0x3  }
0x9c: {  	_ =	strace s4  }
0x9d: {  	_ =	strace $0x8FFFFFFF  }
0x9e: {  	s18 =	sld [smem:$0x3FDB];
	_ =	sdelay $0x1  }
0x9f: {  	s19 =	simm.s32 $_scs_section_size  }
0xa0: {  	s6 =	simm.s32 $_size__tile_overlayer_lowered;
	s7 =	simm.s32 $_tile_overlayer_lowered  }
0xa1: {  	s22 =	simm.s32 $0x1BFF;
	s21 =	sshll.u32 s7, $0x1;
	s4 =	sadd.s32 s19, s18  }
0xa2: {  	s8 =	simm.s32 $0x0;
	s20 =	sshll.u32 s6, $0x1;
	s6 =	sadd.s32 s21, s4  }
0xa3: {  	[timem:s8], [sflag:s22] =	dma.local [hbm:s6], s20  }
0xa4: {  	_ =	swait.ge [sflag:s22], s20  }
0xa5: {  	s5 =	ssub.s32 $0x0, s20;
	[sflag:s22] =	ssyncset.done $0x0  }
0xa6: {  	[sflag:s22] =	ssyncadd.s32 s5;
	_ =	sdelay $0x1  }
0xa7: {  	s23 =	simm.s32 $0x1B8B  }
0xa8: {  	_ =	swait.ge [sflag:s23], $0x1  }
0xa9: {  	[sflag:s23] =	ssyncset.done $0x0  }
0xaa: {  	s25 =	simm.s32 $0x1B8E;
	s24 =	sld [smem:$0x3FFE];
	[sflag:s23] =	ssyncadd.s32 $0xFFFFFFFF  }
0xab: {  	s26 =	simm.s32 $execute0_lowered;
	[smem:$0x3FD2] =	sst s25  }
0xac: {  	s6 =	sshll.u32 s26, $0x1;
	_ =	strace $0x80000046;
	[dreg:$0x1] =	wrdreg $0xFFFFFFFF  }
0xad: {  	s28 =	simm.s32 $_size_execute0_lowered;
	s4 =	sadd.s32 s4, s6;
	[dreg:$0x0] =	wrdreg $0x0  }
0xae: {  	s6 =	sshll.u32 s28, $0x1;
	[dreg:$0x2] =	wrdreg s4  }
0xaf: {  	[dreg:$0x3] =	wrdreg s6  }
0xb0: {  	[dreg:$0x4] =	wrdreg $0xC0  }
0xb1: {  	_ =	task [dreg:s8], $0x5FFFF  }
0xb2: {  	[dreg:$0x1] =	wrdreg $0xFFFFFFFF  }
0xb3: {  	[dreg:$0x0] =	wrdreg $0x60  }
0xb4: {  	[dreg:$0x2] =	wrdreg s16  }
0xb5: {  	[dreg:$0x3] =	wrdreg s24  }
0xb6: {  	[dreg:$0x4] =	wrdreg s15  }
0xb7: {  	[dreg:$0x5] =	wrdreg $0x9  }
0xb8: {  	_ =	task.clear_ibuf [dreg:s8], $0x6FFFF;
	_ =	strace $0x90000046  }
0xb9: {  	s29 =	simm.s32 $0x9;
	_ =	strace $0x80000048  }
0xba: {  	_ =	swait.ge [sflag:s29], $0x1  }
0xbb: {  	[sflag:s29] =	ssyncadd.s32 $0xFFFFFFFF  }
0xbc: {  	_ =	strace $0x90000048  }
0xbd: {  	_ =	sfence  }
0xbe: {  	s30 =	sld [smem:$0x0];
	_ =	sdelay $0x2  }
0xbf: {  	s31 =	sshll.u32 s1, $0xD;
	s1 =	sshrl.u32 s1, $0x2  }
0xc0: {  	s3 =	sand.u32 $0x4000, s31;
	s1 =	sadd.s32 s1, s30  }
0xc1: {  	s0 =	sor.u32 s3, s0;
	s1 =	sshll.u32 s1, $0x11  }
0xc2: {  	s0 =	sor.u32 s1, s0  }
0xc3: {  	s0 =	sadd.s32 $0x8F2B, s0  }
0xc4: {  	[sflag:s0] =	ssyncadd.remote.s32 $0x1  }
0xc5: {  	_ =	sfence.sel $0xFFFF  }
0xc6: {  	[dreg:$0x0] =	wrdreg $0xFFFFFFFF;
	(pc) =	sbr.abs _section_cstart, $3  }
0xc7: {  	[dreg:$0x1] =	wrdreg $0xFFFFFFFF  }
0xc8: {  	_ =	task.clear_ibuf [dreg:s8], $0x2FFFF;
	_ =	strace $0x9FFFFFFF  }
0xc9: {  	(tm) =	ssettm $0x7FFFFFFF  }
tec
execute0_lowered:
.L_overlay_start_1:
0x0: {  	(tag) =	ssettag $0x1  }
0x1: {  	s0 =	rddreg [dreg:$0x0]  }
0x2: {  	s2 =	rddreg [dreg:$0x1]  }
0x3: {  	s1 =	rddreg [dreg:$0x2];
	s3 =	srdreg.scid  }
0x4: {  	s6 =	stileid.u32;
	s18 =	simm.s32 $0x2;
	s19 =	simm.s32 $0x80  }
0x5: {  	s20 =	simm.s32 $0x800;
	s21 =	simm.s32 $0x1;
	s28 =	simm.s32 $0x380  }
0x6: {  	s29 =	simm.s32 $0x400;
	s30 =	simm.s32 $0x480;
	s4 =	sand.u32 $0x1, s3  }
0x7: {  	s31 =	simm.s32 $0x4800;
	s3 =	simm.s32 $0x0;
	s5 =	sshll.u32 s4, $0x4  }
0x8: {  	s7 =	sadd.s32 $0x14800, s2;
	[smem:$0x7FF] =	sst s3;
	s5 =	sor.u32 s6, s5  }
0x9: {  	s4 =	ssub.s32 $0x2, s4;
	_ =	strace $0x80000047;
	s6 =	smul.u32 $0x500, s5  }
0xa: {  	s23 =	sshrl.u32 s4, $0x1;
	s8 =	smul.u32 $0x28000, s5;
	s24 =	sshll.u32 s5, $0x8  }
0xb: {  	s9 =	smul.u32 $0x5000, s5;
	s17 =	ssub.s32 s4, s23;
	s4 =	sadd.s32 s0, s24  }
0xc: {  	s17 =	smax.u32 s17, $0x1;
	s24 =	simm.s32 $0x200;
	s0 =	simm.s32 $0x7000  }
0xd: {  	s2 =	sadd.s32 s6, s2;
	s25 =	sshrl.u32 s8, $0x3;
	s5 =	sadd.s32 s7, s9  }
0xe: {  	s26 =	sadd.s32 s7, s25;
	s6 =	sadd.s32 $0x800, s5;
	s15 =	sadd.s32 $0x800, s2  }
0xf: {  	s16 =	sadd.s32 $0xA800, s2;
	s25 =	simm.s32 $0x280;
	s2 =	simm.s32 $0x0  }
0x10: {  	s7 =	sadd.s32 $0x1000, s26;
	s8 =	sadd.s32 $0x1800, s26;
	s9 =	sadd.s32 $0x2000, s26  }
0x11: {  	s10 =	sadd.s32 $0x2800, s26;
	s11 =	sadd.s32 $0x3000, s26;
	s12 =	sadd.s32 $0x3800, s26  }
0x12: {  	v0 =	vimm.f32 $0.0e+00;
	v1 =	vimm.f32 $1.000000000e+00;
	s13 =	sadd.s32 $0x4000, s26;
	s14 =	sadd.s32 $0x4800, s26;
	s26 =	simm.s32 $0x300  }
.LBB2_1:
0x13: {  	[tilespmem:s3], [sflag:$0x2] =	stream.linear.gather [hbm4b:s4+s3], $0x500, $0x38;
	[tilespmem:$0x9800] =	vst v63  }
0x14: {  	_ =	swait.ge [sflag:s18], $0x500  }
0x15: {  	[sflag:s18] =	ssyncset.done $0x0  }
0x16: {  	[sflag:s18] =	ssyncadd.s32 $0xFFFFFB00  }
0x17: {  	[tilespmem:s20], [sflag:$0x1] =	stream.indirect.gather [hbm4b:s1+s19], $0x80, s3, s19, $0xb8;
	[tilespmem:$0x9800] =	vst v63  }
0x18: {  	_ =	swait.ge [sflag:s21], $0x4000  }
0x19: {  	[sflag:s21] =	ssyncset.done $0x0  }
0x1a: {  	[sflag:s21] =	ssyncadd.s32 $0xFFFFC000  }
0x1b: {  	[hbm4b:s5+s3] =	stream.linear.scatter [tilespmem:s20], [sflag:$0x2], $0x4000, $0x38;
	[tilespmem:$0x9800] =	vst v63  }
0x1c: {  	_ =	swait.ge [sflag:s18], $0x4000  }
0x1d: {  	[sflag:s18] =	ssyncset.done $0x0  }
0x1e: {  	[sflag:s18] =	ssyncadd.s32 $0xFFFFC000  }
0x1f: {  	[tilespmem:s20], [sflag:$0x1] =	stream.indirect.gather [hbm4b:s1+s19], $0x80, s19, s19, $0xb8;
	[tilespmem:$0x9800] =	vst v63  }
0x20: {  	_ =	swait.ge [sflag:s21], $0x4000  }
0x21: {  	[sflag:s21] =	ssyncset.done $0x0  }
0x22: {  	[sflag:s21] =	ssyncadd.s32 $0xFFFFC000  }
0x23: {  	[hbm4b:s6+s3] =	stream.linear.scatter [tilespmem:s20], [sflag:$0x2], $0x4000, $0x38;
	[tilespmem:$0x9800] =	vst v63  }
0x24: {  	_ =	swait.ge [sflag:s18], $0x4000  }
0x25: {  	[sflag:s18] =	ssyncset.done $0x0  }
0x26: {  	s22 =	simm.s32 $0x100;
	[sflag:s18] =	ssyncadd.s32 $0xFFFFC000  }
0x27: {  	[tilespmem:s20], [sflag:$0x1] =	stream.indirect.gather [hbm4b:s1+s19], $0x80, s22, s19, $0xb8;
	[tilespmem:$0x9800] =	vst v63  }
0x28: {  	_ =	swait.ge [sflag:s21], $0x4000  }
0x29: {  	[sflag:s21] =	ssyncset.done $0x0  }
0x2a: {  	[sflag:s21] =	ssyncadd.s32 $0xFFFFC000  }
0x2b: {  	[hbm4b:s7+s3] =	stream.linear.scatter [tilespmem:s20], [sflag:$0x2], $0x4000, $0x38;
	[tilespmem:$0x9800] =	vst v63  }
0x2c: {  	_ =	swait.ge [sflag:s18], $0x4000  }
0x2d: {  	[sflag:s18] =	ssyncset.done $0x0  }
0x2e: {  	s23 =	simm.s32 $0x180;
	[sflag:s18] =	ssyncadd.s32 $0xFFFFC000  }
0x2f: {  	[tilespmem:s20], [sflag:$0x1] =	stream.indirect.gather [hbm4b:s1+s19], $0x80, s23, s19, $0xb8;
	[tilespmem:$0x9800] =	vst v63  }
0x30: {  	_ =	swait.ge [sflag:s21], $0x4000  }
0x31: {  	[sflag:s21] =	ssyncset.done $0x0  }
0x32: {  	[sflag:s21] =	ssyncadd.s32 $0xFFFFC000  }
0x33: {  	[hbm4b:s8+s3] =	stream.linear.scatter [tilespmem:s20], [sflag:$0x2], $0x4000, $0x38;
	[tilespmem:$0x9800] =	vst v63  }
0x34: {  	_ =	swait.ge [sflag:s18], $0x4000  }
0x35: {  	[sflag:s18] =	ssyncset.done $0x0  }
0x36: {  	[sflag:s18] =	ssyncadd.s32 $0xFFFFC000  }
0x37: {  	[tilespmem:s20], [sflag:$0x1] =	stream.indirect.gather [hbm4b:s1+s19], $0x80, s24, s19, $0xb8;
	[tilespmem:$0x9800] =	vst v63  }
0x38: {  	_ =	swait.ge [sflag:s21], $0x4000  }
0x39: {  	[sflag:s21] =	ssyncset.done $0x0  }
0x3a: {  	[sflag:s21] =	ssyncadd.s32 $0xFFFFC000  }
0x3b: {  	[hbm4b:s9+s3] =	stream.linear.scatter [tilespmem:s20], [sflag:$0x2], $0x4000, $0x38;
	[tilespmem:$0x9800] =	vst v63  }
0x3c: {  	_ =	swait.ge [sflag:s18], $0x4000  }
0x3d: {  	[sflag:s18] =	ssyncset.done $0x0  }
0x3e: {  	[sflag:s18] =	ssyncadd.s32 $0xFFFFC000  }
0x3f: {  	[tilespmem:s20], [sflag:$0x1] =	stream.indirect.gather [hbm4b:s1+s19], $0x80, s25, s19, $0xb8;
	[tilespmem:$0x9800] =	vst v63  }
0x40: {  	_ =	swait.ge [sflag:s21], $0x4000  }
0x41: {  	[sflag:s21] =	ssyncset.done $0x0  }
0x42: {  	[sflag:s21] =	ssyncadd.s32 $0xFFFFC000  }
0x43: {  	[hbm4b:s10+s3] =	stream.linear.scatter [tilespmem:s20], [sflag:$0x2], $0x4000, $0x38;
	[tilespmem:$0x9800] =	vst v63  }
0x44: {  	_ =	swait.ge [sflag:s18], $0x4000  }
0x45: {  	[sflag:s18] =	ssyncset.done $0x0  }
0x46: {  	[sflag:s18] =	ssyncadd.s32 $0xFFFFC000  }
0x47: {  	[tilespmem:s20], [sflag:$0x1] =	stream.indirect.gather [hbm4b:s1+s19], $0x80, s26, s19, $0xb8;
	[tilespmem:$0x9800] =	vst v63  }
0x48: {  	_ =	swait.ge [sflag:s21], $0x4000  }
0x49: {  	[sflag:s21] =	ssyncset.done $0x0  }
0x4a: {  	[sflag:s21] =	ssyncadd.s32 $0xFFFFC000  }
0x4b: {  	[hbm4b:s11+s3] =	stream.linear.scatter [tilespmem:s20], [sflag:$0x2], $0x4000, $0x38;
	[tilespmem:$0x9800] =	vst v63  }
0x4c: {  	_ =	swait.ge [sflag:s18], $0x4000  }
0x4d: {  	[sflag:s18] =	ssyncset.done $0x0  }
0x4e: {  	[sflag:s18] =	ssyncadd.s32 $0xFFFFC000  }
0x4f: {  	[tilespmem:s20], [sflag:$0x1] =	stream.indirect.gather [hbm4b:s1+s19], $0x80, s28, s19, $0xb8;
	[tilespmem:$0x9800] =	vst v63  }
0x50: {  	_ =	swait.ge [sflag:s21], $0x4000  }
0x51: {  	[sflag:s21] =	ssyncset.done $0x0  }
0x52: {  	[sflag:s21] =	ssyncadd.s32 $0xFFFFC000  }
0x53: {  	[hbm4b:s12+s3] =	stream.linear.scatter [tilespmem:s20], [sflag:$0x2], $0x4000, $0x38;
	[tilespmem:$0x9800] =	vst v63  }
0x54: {  	_ =	swait.ge [sflag:s18], $0x4000  }
0x55: {  	[sflag:s18] =	ssyncset.done $0x0  }
0x56: {  	[sflag:s18] =	ssyncadd.s32 $0xFFFFC000  }
0x57: {  	[tilespmem:s20], [sflag:$0x1] =	stream.indirect.gather [hbm4b:s1+s19], $0x80, s29, s19, $0xb8;
	[tilespmem:$0x9800] =	vst v63  }
0x58: {  	_ =	swait.ge [sflag:s21], $0x4000  }
0x59: {  	[sflag:s21] =	ssyncset.done $0x0  }
0x5a: {  	[sflag:s21] =	ssyncadd.s32 $0xFFFFC000  }
0x5b: {  	[hbm4b:s13+s3] =	stream.linear.scatter [tilespmem:s20], [sflag:$0x2], $0x4000, $0x38;
	[tilespmem:$0x9800] =	vst v63  }
0x5c: {  	_ =	swait.ge [sflag:s18], $0x4000  }
0x5d: {  	[sflag:s18] =	ssyncset.done $0x0  }
0x5e: {  	[sflag:s18] =	ssyncadd.s32 $0xFFFFC000  }
0x5f: {  	[tilespmem:s20], [sflag:$0x1] =	stream.indirect.gather [hbm4b:s1+s19], $0x80, s30, s19, $0xb8;
	[tilespmem:$0x9800] =	vst v63  }
0x60: {  	_ =	swait.ge [sflag:s21], $0x4000  }
0x61: {  	[sflag:s21] =	ssyncset.done $0x0  }
0x62: {  	[sflag:s21] =	ssyncadd.s32 $0xFFFFC000  }
0x63: {  	[hbm4b:s14+s3] =	stream.linear.scatter [tilespmem:s20], [sflag:$0x2], $0x4000, $0x38;
	[tilespmem:$0x9800] =	vst v63  }
0x64: {  	_ =	swait.ge [sflag:s18], $0x4000  }
0x65: {  	[sflag:s18] =	ssyncset.done $0x0  }
0x66: {  	[sflag:s18] =	ssyncadd.s32 $0xFFFFC000  }
0x67: {  	[tilespmem:s31], [sflag:$0x2] =	stream.linear.gather [hbm4b:s15+s3], $0x2780, $0x38;
	[tilespmem:$0x9800] =	vst v63  }
0x68: {  	_ =	swait.ge [sflag:s18], $0x2780  }
0x69: {  	[sflag:s18] =	ssyncset.done $0x0  }
0x6a: {  	s22 =	simm.s32 $0x0;
	s23 =	simm.s32 $0x200;
	[sflag:s18] =	ssyncadd.s32 $0xFFFFD880  }
.LBB2_2:
0x6b: {  	p0 =	sne.s32 s23, $0x9C00;
	[tilespmem:s22+$0x7070] =	vst v0  }
0x6c: {  	[tilespmem:s22+$0x7000] =	vst v0  }
0x6d: {  	[tilespmem:s22+$0x7010] =	vst v0  }
.Ltmp0:
0x6e: {  	[tilespmem:s22+$0x7020] =	vst v0;
	(pc) =	sbr.rel @p0 .LBB2_2-.Ltmp0, $4  }
0x6f: {  	[tilespmem:s22+$0x7030] =	vst v0  }
0x70: {  	[tilespmem:s22+$0x7040] =	vst v0  }
0x71: {  	[tilespmem:s22+$0x7050] =	vst v0  }
0x72: {  	[tilespmem:s22+$0x7060] =	vst v0;
	s22 =	sshra.s32 s23, $0x2;
	s23 =	sadd.s32 $0x200, s23  }
0x73: {  	[tilespmem:s22+$0x7070] =	vst v0  }
0x74: {  	[tilespmem:s22+$0x7000] =	vst v0  }
0x75: {  	[tilespmem:s22+$0x7010] =	vst v0  }
0x76: {  	[tilespmem:s22+$0x7020] =	vst v0  }
0x77: {  	[tilespmem:s22+$0x7030] =	vst v0  }
0x78: {  	[tilespmem:s22+$0x7040] =	vst v0  }
0x79: {  	[tilespmem:s22+$0x7050] =	vst v0  }
0x7a: {  	[tilespmem:s22+$0x7060] =	vst v0;
	s22 =	simm.s32 $0x0  }
.LBB2_4:
0x7b: {  	s23 =	sshra.s32 s22, $0x2  }
0x7c: {  	v2 =	vld [tilespmem:s23+$0x4800];
	_ =	sdelay $0x7  }
0x7d: {  	[tilespmem:v2+s0+$0x0] =	vst.idx.add.f32.msk $0xffff, v1  }
0x7e: {  	v2 =	vld [tilespmem:s23+$0x4810];
	_ =	sdelay $0x7  }
0x7f: {  	[tilespmem:v2+s0+$0x0] =	vst.idx.add.f32.msk $0xffff, v1  }
0x80: {  	v2 =	vld [tilespmem:s23+$0x4820];
	_ =	sdelay $0x7  }
0x81: {  	[tilespmem:v2+s0+$0x0] =	vst.idx.add.f32.msk $0xffff, v1  }
0x82: {  	v2 =	vld [tilespmem:s23+$0x4830];
	_ =	sdelay $0x7  }
0x83: {  	[tilespmem:v2+s0+$0x0] =	vst.idx.add.f32.msk $0xffff, v1  }
0x84: {  	v2 =	vld [tilespmem:s23+$0x4840];
	_ =	sdelay $0x7  }
0x85: {  	[tilespmem:v2+s0+$0x0] =	vst.idx.add.f32.msk $0xffff, v1  }
0x86: {  	v2 =	vld [tilespmem:s23+$0x4850];
	_ =	sdelay $0x7  }
0x87: {  	[tilespmem:v2+s0+$0x0] =	vst.idx.add.f32.msk $0xffff, v1  }
0x88: {  	v2 =	vld [tilespmem:s23+$0x4860];
	_ =	sdelay $0x7  }
0x89: {  	[tilespmem:v2+s0+$0x0] =	vst.idx.add.f32.msk $0xffff, v1  }
0x8a: {  	v2 =	vld [tilespmem:s23+$0x4870];
	_ =	sdelay $0x2  }
0x8b: {  	p0 =	sne.s32 s22, $0x9C00  }
.Ltmp1:
0x8c: {  	_ = 	snop;
	(pc) =	sbr.rel @p0 .LBB2_4-.Ltmp1, $2  }
0x8d: {  	_ =	sdelay $0x2  }
0x8e: {  	s22 =	sadd.s32 $0x200, s22;
	[tilespmem:v2+s0+$0x0] =	vst.idx.add.f32.msk $0xffff, v1  }
0x8f: {  	s2 =	sadd.s32 $0x1, s2  }
0x90: {  	p0 =	sne.s32 s2, s17  }
.Ltmp2:
0x91: {  	_ = 	snop;
	(pc) =	sbr.rel @p0 .LBB2_1-.Ltmp2, $4  }
0x92: {  	[hbm4b:s16+s3] =	stream.linear.scatter [tilespmem:s0], [sflag:$0x2], $0x2780, $0x38;
	[tilespmem:$0x9800] =	vst v63  }
0x93: {  	_ =	swait.ge [sflag:s18], $0x2780  }
0x94: {  	[sflag:s18] =	ssyncset.done $0x0  }
0x95: {  	[sflag:s18] =	ssyncadd.s32 $0xFFFFD880  }
0x96: {  	_ =	sfence.sel $0x180000  }
0x97: {  	[bflag:$0x0] =	sbarrier.arrive $0xFFFF  }
0x98: {  	_ =	strace $0x90000047  }
0x99: {  	s0 =	stileid.u32;
	[bflag:$0x2] =	sbarrier.arrive $0xFFFF  }
0x9a: {  	p0 =	sne.s32 s0, $0x0;
	s0 =	rddreg [dreg:$0x3]  }
0x9b: {  	s0 =	sadd.s32 @!p0 $0x100000, s0  }
0x9c: {  	[sflag:s0] =	ssyncadd.tile.s32 @!p0 $0x1;
	_ =	shalt  }
.Lfunc_end2:
_tile_overlayer_lowered:
.L_overlay_start_2:
0x9d: {  	(tag) =	ssettag $0x2  }
0x9e: {  	s0 =	rddreg [dreg:$0x0];
	s2 =	stileid.u32  }
0x9f: {  	s1 =	rddreg [dreg:$0x1];
	p0 =	sne.s32 s2, $0x0  }
0xa0: {  	s3 =	rddreg [dreg:$0x2];
	[bflag:$0x3] =	sbarrier.arrive $0xFFFF;
	s2 =	simm.s32 @!p0 $0x1C02  }
0xa1: {  	[timem:s3], [sflag:s2] =	dma.local @!p0 [hbm:s0], s1  }
0xa2: {  	s0 =	simm.s32 @!p0 $0x2  }
0xa3: {  	_ =	swait.ge @!p0 [sflag:s0], s1  }
0xa4: {  	s1 =	ssub.s32 @!p0 $0x0, s1;
	[sflag:s0] =	ssyncset.done @!p0 $0x0  }
0xa5: {  	[sflag:s0] =	ssyncadd.s32 @!p0 s1  }
0xa6: {  	[bflag:$0x3] =	sbarrier.arrive $0xFFFF  }
0xa7: {  	_ =	shalt  }

// kernel: kernel.9.cloned.1.call-start
scs
__scs_entry_jumppad:
0x0: {  	(pc) =	sbr.rel $0x88, $3  }
0x1: {  	(tag) =	ssettag $0x0;
	lr =	simm.s32 $0x1  }
0x2: {  	[smem:$0x3F9A] =	sst lr;
	_ =	strace $0xD0000000  }
0x3: {  	_ = 	snop  }
0x4: {  	_ = 	snop  }
0x5: {  	_ = 	snop  }
0x6: {  	_ = 	snop  }
0x7: {  	_ = 	snop  }
__scs_overlays_trampoline_lowered:
0x8: {  	[smem:$0x3FA9] =	sst s0  }
0x9: {  	[smem:$0x3FAA] =	sst s1  }
0xa: {  	[smem:$0x3FAB] =	sst s2  }
0xb: {  	[smem:$0x3FAC] =	sst s3  }
0xc: {  	[smem:$0x3FAD] =	sst s4  }
0xd: {  	[smem:$0x3FAE] =	sst s5  }
0xe: {  	[smem:$0x3FAF] =	sst s6  }
0xf: {  	[smem:$0x3FB0] =	sst s7  }
0x10: {  	[smem:$0x3FB1] =	sst s8  }
0x11: {  	[smem:$0x3FB2] =	sst s9;
	s0 =	simm.s32 @!p0 $0x0  }
0x12: {  	s1 =	sld [smem:$0x3F98];
	s0 =	simm.s32 @p0 $0x1  }
0x13: {  	[smem:$0x3FB3] =	sst s0;
	s0 =	simm.s32 @!p1 $0x0  }
0x14: {  	s2 =	sld [smem:$0x3F97];
	s0 =	simm.s32 @p1 $0x1  }
0x15: {  	[smem:$0x3FB4] =	sst s0;
	s0 =	simm.s32 @!p2 $0x0  }
0x16: {  	s3 =	sld [smem:$0x3FDB];
	s0 =	simm.s32 @p2 $0x1  }
0x17: {  	s4 =	simm.s32 $0x1BF5;
	[smem:$0x3FB6] =	sst s0  }
0x18: {  	s0 =	sld [smem:$0x3F99];
	_ =	swait.ge [sflag:s4], $0x0  }
0x19: {  	s7 =	sld [smem:$0x3F9A]  }
0x1a: {  	s8 =	sadd.s32 $0xFFFFE003, lr  }
0x1b: {  	s9 =	sadd.s32 $0xFFFFFEF7, lr;
	s5 =	simm.s32 $0xFFFFFFFF;
	p2 =	slt.u32 s8, $0xFFFFF086  }
0x1c: {  	p1 =	slt.u32 s9, $0xF7A;
	s5 =	simm.s32 @!p2 $0x0  }
0x1d: {  	s5 =	simm.s32 @p1 $0x1;
	p0 =	seq.s32 s7, s2  }
0x1e: {  	s7 =	smul.u32 @!p0 $0xF7A, s2;
	p2 =	seq.s32 @!p0 s5, $0x0  }
0x1f: {  	s9 =	smul.u32 $0xF7A, s1;
	s8 =	simm.s32 @!p0 $0x1BF5;
	p2 =	por !p2, p0  }
0x20: {  	[sflag:s8] =	ssyncset.s32 @!p0 $0xFFFFF086;
	s6 =	sadd.s32 @!p0 s3, s7;
	s7 =	simm.s32 @!p0 $0x108  }
0x21: {  	s3 =	sadd.s32 s3, s9;
	s6 =	sadd.s32 @!p0 $0x88, s6;
	s7 =	simm.s32 @p2 $0x1082  }
0x22: {  	[simem:s7], [sflag:s8] =	dma.local @!p0 [hbm:s6], $0xF7A  }
0x23: {  	s9 =	sor.u32 $0xD0000000, s2;
	s6 =	simm.s32 $0x108;
	_ =	swait.ge @!p0 [sflag:s8], $0x0  }
0x24: {  	s3 =	sadd.s32 $0x88, s3;
	s6 =	simm.s32 @!p1 $0x1082;
	[sflag:s4] =	ssyncset.s32 $0xFFFFF086  }
0x25: {  	[simem:s6], [sflag:s4] =	dma.local [hbm:s3], $0xF7A  }
0x26: {  	[smem:$0x3F9A] =	sst s1;
	(tag) =	ssettag s2;
	_ =	strace s9  }
0x27: {  	s1 =	sld [smem:$0x3FAA]  }
0x28: {  	s2 =	sld [smem:$0x3FAB]  }
0x29: {  	s4 =	sld [smem:$0x3FAD]  }
0x2a: {  	p0 =	seq.s32 s5, $0x0;
	s5 =	sld [smem:$0x3FAE]  }
0x2b: {  	s6 =	sld [smem:$0x3FAF]  }
0x2c: {  	s7 =	sld [smem:$0x3FB0]  }
0x2d: {  	s3 =	simm.s32 $0x108;
	s8 =	sld [smem:$0x3FB1]  }
0x2e: {  	s3 =	simm.s32 @!p0 $0x1082;
	s9 =	sld [smem:$0x3FB2]  }
0x2f: {  	lr =	sadd.s32 s0, s3;
	s0 =	sld [smem:$0x3FA9]  }
0x30: {  	s3 =	sld [smem:$0x3FAC]  }
0x31: {  	[smem:$0x3FB5] =	sst s10  }
0x32: {  	s10 =	sld [smem:$0x3FB3];
	_ =	sdelay $0x3  }
0x33: {  	p0 =	seq.s32 s10, $0x1;
	s10 =	sld [smem:$0x3FB5];
	_ =	sdelay $0x3  }
0x34: {  	[smem:$0x3FB5] =	sst s10  }
0x35: {  	s10 =	sld [smem:$0x3FB4];
	_ =	sdelay $0x3  }
0x36: {  	p1 =	seq.s32 s10, $0x1;
	s10 =	sld [smem:$0x3FB5];
	_ =	sdelay $0x3  }
0x37: {  	[smem:$0x3FB5] =	sst s10  }
0x38: {  	s10 =	sld [smem:$0x3FB6]  }
0x39: {  	_ = 	snop;
	(pc) =	sbr.ind lr, $3  }
0x3a: {  	_ = 	snop  }
0x3b: {  	_ = 	snop  }
0x3c: {  	p2 =	seq.s32 s10, $0x1;
	s10 =	sld [smem:$0x3FB5]  }
0x3d: {  	_ =	shalt  }
0x3e: {  	_ =	shalt  }
0x3f: {  	_ =	shalt  }
0x40: {  	_ =	shalt  }
0x41: {  	_ =	shalt  }
0x42: {  	_ =	shalt  }
0x43: {  	_ =	shalt  }
0x44: {  	_ =	shalt  }
0x45: {  	_ =	shalt  }
0x46: {  	_ =	shalt  }
0x47: {  	_ =	shalt  }
0x48: {  	_ =	shalt  }
0x49: {  	_ =	shalt  }
0x4a: {  	_ =	shalt  }
0x4b: {  	_ =	shalt  }
0x4c: {  	_ =	shalt  }
0x4d: {  	_ =	shalt  }
0x4e: {  	_ =	shalt  }
0x4f: {  	_ =	shalt  }
0x50: {  	_ =	shalt  }
0x51: {  	_ =	shalt  }
0x52: {  	_ =	shalt  }
0x53: {  	_ =	shalt  }
0x54: {  	_ =	shalt  }
0x55: {  	_ =	shalt  }
0x56: {  	_ =	shalt  }
0x57: {  	_ =	shalt  }
0x58: {  	_ =	shalt  }
0x59: {  	_ =	shalt  }
0x5a: {  	_ =	shalt  }
0x5b: {  	_ =	shalt  }
0x5c: {  	_ =	shalt  }
0x5d: {  	_ =	shalt  }
0x5e: {  	_ =	shalt  }
0x5f: {  	_ =	shalt  }
0x60: {  	_ =	shalt  }
0x61: {  	_ =	shalt  }
0x62: {  	_ =	shalt  }
0x63: {  	_ =	shalt  }
0x64: {  	_ =	shalt  }
0x65: {  	_ =	shalt  }
0x66: {  	_ =	shalt  }
0x67: {  	_ =	shalt  }
0x68: {  	_ =	shalt  }
0x69: {  	_ =	shalt  }
0x6a: {  	_ =	shalt  }
0x6b: {  	_ =	shalt  }
0x6c: {  	_ =	shalt  }
0x6d: {  	_ =	shalt  }
0x6e: {  	_ =	shalt  }
0x6f: {  	_ =	shalt  }
0x70: {  	_ =	shalt  }
0x71: {  	_ =	shalt  }
0x72: {  	_ =	shalt  }
0x73: {  	_ =	shalt  }
0x74: {  	_ =	shalt  }
0x75: {  	_ =	shalt  }
0x76: {  	_ =	shalt  }
0x77: {  	_ =	shalt  }
0x78: {  	_ =	shalt  }
0x79: {  	_ =	shalt  }
0x7a: {  	_ =	shalt  }
0x7b: {  	_ =	shalt  }
0x7c: {  	_ =	shalt  }
0x7d: {  	_ =	shalt  }
0x7e: {  	_ =	shalt  }
0x7f: {  	_ =	shalt  }
0x80: {  	_ =	shalt  }
0x81: {  	_ =	shalt  }
0x82: {  	_ =	shalt  }
0x83: {  	_ =	shalt  }
0x84: {  	_ =	shalt  }
0x85: {  	_ =	shalt  }
0x86: {  	_ =	shalt  }
0x87: {  	_ =	shalt  }
.Lfunc_end0:
.L_simem_size_0:
called_computation.1_lowered:
.L_overlay_start_0:
0x88: {  	s2 =	sld [smem:$0x3FD9]  }
0x89: {  	s3 =	sld [smem:$0x3FFE];
	_ =	sdelay $0x1  }
0x8a: {  	s1 =	srdreg.scid  }
0x8b: {  	s0 =	sand.u32 $0x1, s1  }
0x8c: {  	s16 =	sshll.u32 s0, $0xA;
	s2 =	sadd.s32 s3, s2  }
0x8d: {  	s2 =	sadd.s32 s2, s16  }
0x8e: {  	[smem:$0x3FC1] =	sst s2  }
0x8f: {  	_ = 	snop  }
0x90: {  	(tm) =	ssettm $0x1  }
0x91: {  	s17 =	sld [smem:$0x3FFB];
	_ =	sdelay $0x3  }
0x92: {  	_ =	strace s17  }
0x93: {  	s2 =	sld [smem:$0x3FFC];
	_ =	sdelay $0x3  }
0x94: {  	_ =	strace s2  }
0x95: {  	s2 =	sld [smem:$0x3FFD];
	_ =	sdelay $0x3  }
0x96: {  	_ =	strace s2  }
0x97: {  	_ =	strace $0x8FFFFFFF  }
0x98: {  	s18 =	sld [smem:$0x3FDB];
	_ =	sdelay $0x1  }
0x99: {  	s19 =	simm.s32 $_scs_section_size  }
0x9a: {  	s4 =	simm.s32 $_size__tile_overlayer_lowered;
	s5 =	simm.s32 $_tile_overlayer_lowered  }
0x9b: {  	s22 =	simm.s32 $0x1BFF;
	s21 =	sshll.u32 s5, $0x1;
	s2 =	sadd.s32 s19, s18  }
0x9c: {  	s6 =	simm.s32 $0x0;
	s20 =	sshll.u32 s4, $0x1;
	s4 =	sadd.s32 s21, s2  }
0x9d: {  	[timem:s6], [sflag:s22] =	dma.local [hbm:s4], s20  }
0x9e: {  	_ =	swait.ge [sflag:s22], s20  }
0x9f: {  	s3 =	ssub.s32 $0x0, s20;
	[sflag:s22] =	ssyncset.done $0x0  }
0xa0: {  	[sflag:s22] =	ssyncadd.s32 s3;
	_ =	sdelay $0x1  }
0xa1: {  	s23 =	simm.s32 $0x1B8B  }
0xa2: {  	_ =	swait.ge [sflag:s23], $0x1  }
0xa3: {  	[sflag:s23] =	ssyncset.done $0x0  }
0xa4: {  	s25 =	simm.s32 $0x1B8E;
	s24 =	sld [smem:$0x3FFE];
	[sflag:s23] =	ssyncadd.s32 $0xFFFFFFFF  }
0xa5: {  	s26 =	simm.s32 $execute0_lowered;
	[smem:$0x3FD2] =	sst s25  }
0xa6: {  	s4 =	sshll.u32 s26, $0x1;
	_ =	strace $0x80000049;
	[dreg:$0x1] =	wrdreg $0xFFFFFFFF  }
0xa7: {  	s28 =	simm.s32 $_size_execute0_lowered;
	s2 =	sadd.s32 s2, s4;
	[dreg:$0x0] =	wrdreg $0x0  }
0xa8: {  	s4 =	sshll.u32 s28, $0x1;
	[dreg:$0x2] =	wrdreg s2  }
0xa9: {  	[dreg:$0x3] =	wrdreg s4  }
0xaa: {  	[dreg:$0x4] =	wrdreg $0xC0  }
0xab: {  	_ =	task [dreg:s6], $0x5FFFF  }
0xac: {  	[dreg:$0x1] =	wrdreg $0xFFFFFFFF  }
0xad: {  	[dreg:$0x0] =	wrdreg $0x60  }
0xae: {  	[dreg:$0x2] =	wrdreg s24  }
0xaf: {  	[dreg:$0x3] =	wrdreg $0x41000  }
0xb0: {  	[dreg:$0x4] =	wrdreg $0x9  }
0xb1: {  	_ =	task.clear_ibuf [dreg:s6], $0x5FFFF;
	_ =	strace $0x90000049  }
0xb2: {  	s29 =	simm.s32 $0x9;
	_ =	strace $0x8000004B  }
0xb3: {  	_ =	swait.ge [sflag:s29], $0x1  }
0xb4: {  	[sflag:s29] =	ssyncadd.s32 $0xFFFFFFFF  }
0xb5: {  	_ =	strace $0x9000004B  }
0xb6: {  	_ =	sfence  }
0xb7: {  	s30 =	sld [smem:$0x0];
	_ =	sdelay $0x2  }
0xb8: {  	s31 =	sshll.u32 s1, $0xD;
	s1 =	sshrl.u32 s1, $0x2  }
0xb9: {  	s3 =	sand.u32 $0x4000, s31;
	s1 =	sadd.s32 s1, s30  }
0xba: {  	s0 =	sor.u32 s3, s0;
	s1 =	sshll.u32 s1, $0x11  }
0xbb: {  	s0 =	sor.u32 s1, s0  }
0xbc: {  	s0 =	sadd.s32 $0x8F2B, s0  }
0xbd: {  	[sflag:s0] =	ssyncadd.remote.s32 $0x1  }
0xbe: {  	_ =	sfence.sel $0xFFFF  }
0xbf: {  	[dreg:$0x0] =	wrdreg $0xFFFFFFFF;
	(pc) =	sbr.abs _section_cstart, $3  }
0xc0: {  	[dreg:$0x1] =	wrdreg $0xFFFFFFFF  }
0xc1: {  	_ =	task.clear_ibuf [dreg:s6], $0x2FFFF;
	_ =	strace $0x9FFFFFFF  }
0xc2: {  	(tm) =	ssettm $0x7FFFFFFF  }
0xc3: {  	_ =	shalt  }
tec
execute0_lowered:
.L_overlay_start_1:
0x0: {  	(tag) =	ssettag $0x1  }
0x1: {  	s7 =	rddreg [dreg:$0x0]  }
0x2: {  	s2 =	rddreg [dreg:$0x1]  }
0x3: {  	s0 =	rddreg [dreg:$0x2]  }
0x4: {  	s4 =	srdreg.scid;
	s1 =	stileid.u32  }
0x5: {  	s3 =	simm.s32 $0x0;
	s19 =	simm.s32 $0x100;
	s20 =	simm.s32 $0x2  }
0x6: {  	s21 =	simm.s32 $0x80;
	s22 =	simm.s32 $0x1;
	s5 =	smul.u32 $0x278, s1  }
0x7: {  	s23 =	simm.s32 $0x0;
	s8 =	sand.u32 $0x1, s4;
	s10 =	smul.u32 $0x4F000, s1  }
0x8: {  	[smem:$0x7FF] =	sst s3;
	s4 =	sadd.s32 $0xB4800, s7;
	s6 =	smul.u32 $0x2780, s8  }
0x9: {  	_ =	strace $0x8000004A;
	s29 =	ssub.s32 $0x2, s8;
	s8 =	sshll.u32 s8, $0x4  }
0xa: {  	s30 =	sshrl.u32 s10, $0x2;
	s31 =	sshrl.u32 s29, $0x1;
	s12 =	sor.u32 s1, s8  }
0xb: {  	s9 =	sadd.s32 s5, s6;
	s5 =	sadd.s32 $0x800, s7;
	s6 =	sadd.s32 $0xBE800, s7  }
0xc: {  	s18 =	ssub.s32 s29, s31;
	s12 =	smul.u32 $0x2800, s12;
	s9 =	sshll.u32 s9, $0x4  }
0xd: {  	s18 =	smax.u32 s18, $0x1;
	s17 =	sadd.s32 s9, s7;
	s7 =	sadd.s32 s30, s2  }
0xe: {  	s8 =	sadd.s32 $0x4000, s7;
	s9 =	sadd.s32 $0x8000, s7;
	s10 =	sadd.s32 $0xC000, s7  }
0xf: {  	s11 =	sadd.s32 $0x10000, s7;
	s13 =	sadd.s32 $0xE6000, s17;
	s14 =	sadd.s32 $0xE6800, s17  }
0x10: {  	v0 =	vimm.f32 $0.0e+00;
	s15 =	sadd.s32 $0xE7000, s17;
	s16 =	sadd.s32 $0xE7800, s17;
	s17 =	sadd.s32 $0xE8000, s17  }
.LBB2_1:
0x11: {  	s24 =	simm.s32 $0x0;
	s25 =	simm.s32 $0x200  }
.LBB2_2:
0x12: {  	p0 =	sne.s32 s25, $0xFE00;
	[tilespmem:s24+$0x170] =	vst v0  }
0x13: {  	[tilespmem:s24+$0x100] =	vst v0  }
0x14: {  	[tilespmem:s24+$0x110] =	vst v0  }
.Ltmp0:
0x15: {  	[tilespmem:s24+$0x120] =	vst v0;
	(pc) =	sbr.rel @p0 .LBB2_2-.Ltmp0, $4  }
0x16: {  	[tilespmem:s24+$0x130] =	vst v0  }
0x17: {  	[tilespmem:s24+$0x140] =	vst v0  }
0x18: {  	[tilespmem:s24+$0x150] =	vst v0  }
0x19: {  	[tilespmem:s24+$0x160] =	vst v0;
	s24 =	sshra.s32 s25, $0x2;
	s25 =	sadd.s32 $0x200, s25  }
0x1a: {  	[tilespmem:s24+$0x170] =	vst v0  }
0x1b: {  	[tilespmem:s24+$0x100] =	vst v0  }
0x1c: {  	[tilespmem:s24+$0x110] =	vst v0  }
0x1d: {  	[tilespmem:s24+$0x120] =	vst v0  }
0x1e: {  	[tilespmem:s24+$0x130] =	vst v0  }
0x1f: {  	[tilespmem:s24+$0x140] =	vst v0  }
0x20: {  	[tilespmem:s24+$0x150] =	vst v0  }
0x21: {  	[tilespmem:s24+$0x160] =	vst v0  }
0x22: {  	[spmem:s7] =	stream.linear.scatter [tilespmem:s19], [sflag:$0x2], $0x4000, $0x38;
	[tilespmem:$0x17D00] =	vst v63  }
0x23: {  	_ =	swait.ge [sflag:s20], $0x4000  }
0x24: {  	[sflag:s20] =	ssyncset.done $0x0  }
0x25: {  	[sflag:s20] =	ssyncadd.s32 $0xFFFFC000  }
0x26: {  	[spmem:s8] =	stream.linear.scatter [tilespmem:s19], [sflag:$0x2], $0x4000, $0x38;
	[tilespmem:$0x17D00] =	vst v63  }
0x27: {  	_ =	swait.ge [sflag:s20], $0x4000  }
0x28: {  	[sflag:s20] =	ssyncset.done $0x0  }
0x29: {  	[sflag:s20] =	ssyncadd.s32 $0xFFFFC000  }
0x2a: {  	[spmem:s9] =	stream.linear.scatter [tilespmem:s19], [sflag:$0x2], $0x4000, $0x38;
	[tilespmem:$0x17D00] =	vst v63  }
0x2b: {  	_ =	swait.ge [sflag:s20], $0x4000  }
0x2c: {  	[sflag:s20] =	ssyncset.done $0x0  }
0x2d: {  	[sflag:s20] =	ssyncadd.s32 $0xFFFFC000  }
0x2e: {  	[spmem:s10] =	stream.linear.scatter [tilespmem:s19], [sflag:$0x2], $0x4000, $0x38;
	[tilespmem:$0x17D00] =	vst v63  }
0x2f: {  	_ =	swait.ge [sflag:s20], $0x4000  }
0x30: {  	s28 =	simm.s32 $0x0;
	[sflag:s20] =	ssyncset.done $0x0  }
0x31: {  	s25 =	sand.u32 $0x3C00, s28;
	[sflag:s20] =	ssyncadd.s32 $0xFFFFC000  }
0x32: {  	[spmem:s11] =	stream.linear.scatter [tilespmem:s19], [sflag:$0x2], $0x3C00, $0x38;
	[tilespmem:$0x17D00] =	vst v63  }
0x33: {  	s24 =	sand.u32 $0x380, s28;
	s25 =	sadd.s32 s12, s25;
	_ =	swait.ge [sflag:s20], $0x3C00  }
0x34: {  	s24 =	sor.u32 s24, s25;
	[sflag:s20] =	ssyncset.done $0x0  }
0x35: {  	s24 =	sshrl.u32 s24, $0x3;
	[sflag:s20] =	ssyncadd.s32 $0xFFFFC400  }
0x36: {  	s29 =	sadd.s32 s4, s24;
	[bflag:$0x0] =	sbarrier.arrive $0xFFFF  }
0x37: {  	[tilespmem:s3], [sflag:$0x2] =	stream.linear.gather [hbm4b:s29+s3], $0x80, $0x38;
	[tilespmem:$0x17D00] =	vst v63  }
0x38: {  	_ =	swait.ge [sflag:s20], $0x80  }
0x39: {  	[sflag:s20] =	ssyncset.done $0x0  }
0x3a: {  	s24 =	sadd.s32 s5, s24;
	[sflag:s20] =	ssyncadd.s32 $0xFFFFFF80  }
0x3b: {  	[tilespmem:s21], [sflag:$0x2] =	stream.linear.gather [hbm4b:s24+s3], $0x80, $0x38;
	[tilespmem:$0x17D00] =	vst v63  }
0x3c: {  	_ =	swait.ge [sflag:s20], $0x80  }
0x3d: {  	[sflag:s20] =	ssyncset.done $0x0  }
0x3e: {  	[sflag:s20] =	ssyncadd.s32 $0xFFFFFF80  }
0x3f: {  	[tilespmem:s19], [sflag:$0x1] =	stream.indirect.gather [hbm4b:s6+s21], $0x80, s3, s21, $0xb8;
	[tilespmem:$0x17D00] =	vst v63  }
0x40: {  	_ =	swait.ge [sflag:s22], $0x4000  }
0x41: {  	s30 =	simm.s32 $0x80;
	[sflag:s22] =	ssyncset.done $0x0  }
0x42: {  	s31 =	sand.u32 $0x3C00, s30;
	[sflag:s22] =	ssyncadd.s32 $0xFFFFC000  }
0x43: {  	[spmem:s2] =	stream.indirect.scatter.add.f32 [tilespmem:s19], [sflag:$0x2], $0x80, s21, s21, $0xb8;
	[tilespmem:$0x17D00] =	vst v63  }
0x44: {  	s26 =	sand.u32 $0x380, s30;
	s25 =	sadd.s32 s12, s31;
	_ =	swait.ge [sflag:s20], $0x4000  }
0x45: {  	s25 =	sor.u32 s26, s25;
	s24 =	simm.s32 $0x100;
	[sflag:s20] =	ssyncset.done $0x0  }
.LBB2_4:
0x46: {  	s25 =	sshrl.u32 s25, $0x3  }
0x47: {  	[sflag:s20] =	ssyncadd.s32 $0xFFFFC000;
	s26 =	smov.u32 s24;
	s28 =	sadd.s32 $0x80, s24  }
0x48: {  	p0 =	sne.s32 s24, $0x2700;
	s24 =	sadd.s32 s4, s25  }
0x49: {  	[tilespmem:s3], [sflag:$0x2] =	stream.linear.gather [hbm4b:s24+s3], $0x80, $0x38;
	[tilespmem:$0x17D00] =	vst v63  }
0x4a: {  	_ =	swait.ge [sflag:s20], $0x80  }
0x4b: {  	[sflag:s20] =	ssyncset.done $0x0  }
0x4c: {  	s24 =	sadd.s32 s5, s25;
	[sflag:s20] =	ssyncadd.s32 $0xFFFFFF80  }
0x4d: {  	[tilespmem:s21], [sflag:$0x2] =	stream.linear.gather [hbm4b:s24+s3], $0x80, $0x38;
	[tilespmem:$0x17D00] =	vst v63  }
0x4e: {  	_ =	swait.ge [sflag:s20], $0x80  }
0x4f: {  	[sflag:s20] =	ssyncset.done $0x0  }
0x50: {  	[sflag:s20] =	ssyncadd.s32 $0xFFFFFF80  }
0x51: {  	[tilespmem:s19], [sflag:$0x1] =	stream.indirect.gather [hbm4b:s6+s21], $0x80, s3, s21, $0xb8;
	[tilespmem:$0x17D00] =	vst v63  }
0x52: {  	_ =	swait.ge [sflag:s22], $0x4000  }
.Ltmp1:
0x53: {  	[sflag:s22] =	ssyncset.done $0x0;
	(pc) =	sbr.rel @p0 .LBB2_4-.Ltmp1, $4  }
0x54: {  	s24 =	sand.u32 $0x3C00, s26;
	[sflag:s22] =	ssyncadd.s32 $0xFFFFC000  }
0x55: {  	[spmem:s2] =	stream.indirect.scatter.add.f32 [tilespmem:s19], [sflag:$0x2], $0x80, s21, s21, $0xb8;
	[tilespmem:$0x17D00] =	vst v63  }
0x56: {  	s25 =	sand.u32 $0x380, s26;
	s24 =	sadd.s32 s12, s24;
	_ =	swait.ge [sflag:s20], $0x4000  }
0x57: {  	s25 =	sor.u32 s25, s24;
	s24 =	smov.u32 s28;
	[sflag:s20] =	ssyncset.done $0x0  }
0x58: {  	s24 =	sshrl.u32 s25, $0x3  }
0x59: {  	[sflag:s20] =	ssyncadd.s32 $0xFFFFC000;
	s25 =	sadd.s32 s4, s24  }
0x5a: {  	[tilespmem:s3], [sflag:$0x2] =	stream.linear.gather [hbm4b:s25+s3], $0x80, $0x38;
	[tilespmem:$0x17D00] =	vst v63  }
0x5b: {  	_ =	swait.ge [sflag:s20], $0x80  }
0x5c: {  	[sflag:s20] =	ssyncset.done $0x0  }
0x5d: {  	s24 =	sadd.s32 s5, s24;
	[sflag:s20] =	ssyncadd.s32 $0xFFFFFF80  }
0x5e: {  	[tilespmem:s21], [sflag:$0x2] =	stream.linear.gather [hbm4b:s24+s3], $0x80, $0x38;
	[tilespmem:$0x17D00] =	vst v63  }
0x5f: {  	_ =	swait.ge [sflag:s20], $0x80  }
0x60: {  	[sflag:s20] =	ssyncset.done $0x0  }
0x61: {  	[sflag:s20] =	ssyncadd.s32 $0xFFFFFF80  }
0x62: {  	[tilespmem:s19], [sflag:$0x1] =	stream.indirect.gather [hbm4b:s6+s21], $0x80, s3, s21, $0xb8;
	[tilespmem:$0x17D00] =	vst v63  }
0x63: {  	_ =	swait.ge [sflag:s22], $0x4000  }
0x64: {  	[sflag:s22] =	ssyncset.done $0x0  }
0x65: {  	[sflag:s22] =	ssyncadd.s32 $0xFFFFC000  }
0x66: {  	[spmem:s2] =	stream.indirect.scatter.add.f32 [tilespmem:s19], [sflag:$0x2], $0x80, s21, s21, $0xb8;
	[tilespmem:$0x17D00] =	vst v63  }
0x67: {  	_ =	swait.ge [sflag:s20], $0x4000  }
0x68: {  	[sflag:s20] =	ssyncset.done $0x0  }
0x69: {  	[sflag:s20] =	ssyncadd.s32 $0xFFFFC000  }
0x6a: {  	[bflag:$0x0] =	sbarrier.arrive $0xFFFF  }
0x6b: {  	[tilespmem:s19], [sflag:$0x2] =	stream.linear.gather [spmem:s7], $0x4000, $0x38;
	[tilespmem:$0x17D00] =	vst v63  }
0x6c: {  	_ =	swait.ge [sflag:s20], $0x4000  }
0x6d: {  	[sflag:s20] =	ssyncset.done $0x0  }
0x6e: {  	[sflag:s20] =	ssyncadd.s32 $0xFFFFC000  }
0x6f: {  	[hbm4b:s13+s3] =	stream.linear.scatter [tilespmem:s19], [sflag:$0x2], $0x4000, $0x38;
	[tilespmem:$0x17D00] =	vst v63  }
0x70: {  	_ =	swait.ge [sflag:s20], $0x4000  }
0x71: {  	[sflag:s20] =	ssyncset.done $0x0  }
0x72: {  	[sflag:s20] =	ssyncadd.s32 $0xFFFFC000  }
0x73: {  	[tilespmem:s19], [sflag:$0x2] =	stream.linear.gather [spmem:s8], $0x4000, $0x38;
	[tilespmem:$0x17D00] =	vst v63  }
0x74: {  	_ =	swait.ge [sflag:s20], $0x4000  }
0x75: {  	[sflag:s20] =	ssyncset.done $0x0  }
0x76: {  	[sflag:s20] =	ssyncadd.s32 $0xFFFFC000  }
0x77: {  	[hbm4b:s14+s3] =	stream.linear.scatter [tilespmem:s19], [sflag:$0x2], $0x4000, $0x38;
	[tilespmem:$0x17D00] =	vst v63  }
0x78: {  	_ =	swait.ge [sflag:s20], $0x4000  }
0x79: {  	[sflag:s20] =	ssyncset.done $0x0  }
0x7a: {  	[sflag:s20] =	ssyncadd.s32 $0xFFFFC000  }
0x7b: {  	[tilespmem:s19], [sflag:$0x2] =	stream.linear.gather [spmem:s9], $0x4000, $0x38;
	[tilespmem:$0x17D00] =	vst v63  }
0x7c: {  	_ =	swait.ge [sflag:s20], $0x4000  }
0x7d: {  	[sflag:s20] =	ssyncset.done $0x0  }
0x7e: {  	[sflag:s20] =	ssyncadd.s32 $0xFFFFC000  }
0x7f: {  	[hbm4b:s15+s3] =	stream.linear.scatter [tilespmem:s19], [sflag:$0x2], $0x4000, $0x38;
	[tilespmem:$0x17D00] =	vst v63  }
0x80: {  	_ =	swait.ge [sflag:s20], $0x4000  }
0x81: {  	[sflag:s20] =	ssyncset.done $0x0  }
0x82: {  	[sflag:s20] =	ssyncadd.s32 $0xFFFFC000  }
0x83: {  	[tilespmem:s19], [sflag:$0x2] =	stream.linear.gather [spmem:s10], $0x4000, $0x38;
	[tilespmem:$0x17D00] =	vst v63  }
0x84: {  	_ =	swait.ge [sflag:s20], $0x4000  }
0x85: {  	[sflag:s20] =	ssyncset.done $0x0  }
0x86: {  	[sflag:s20] =	ssyncadd.s32 $0xFFFFC000  }
0x87: {  	[hbm4b:s16+s3] =	stream.linear.scatter [tilespmem:s19], [sflag:$0x2], $0x4000, $0x38;
	[tilespmem:$0x17D00] =	vst v63  }
0x88: {  	_ =	swait.ge [sflag:s20], $0x4000  }
0x89: {  	[sflag:s20] =	ssyncset.done $0x0  }
0x8a: {  	[sflag:s20] =	ssyncadd.s32 $0xFFFFC000  }
0x8b: {  	[tilespmem:s19], [sflag:$0x2] =	stream.linear.gather [spmem:s11], $0x3C00, $0x38;
	[tilespmem:$0x17D00] =	vst v63  }
0x8c: {  	s23 =	sadd.s32 $0x1, s23;
	_ =	swait.ge [sflag:s20], $0x3C00  }
0x8d: {  	p0 =	sne.s32 s23, s18;
	[sflag:s20] =	ssyncset.done $0x0  }
.Ltmp2:
0x8e: {  	[sflag:s20] =	ssyncadd.s32 $0xFFFFC400;
	(pc) =	sbr.rel @p0 .LBB2_1-.Ltmp2, $4  }
0x8f: {  	[hbm4b:s17+s3] =	stream.linear.scatter [tilespmem:s19], [sflag:$0x2], $0x3C00, $0x38;
	[tilespmem:$0x17D00] =	vst v63  }
0x90: {  	_ =	swait.ge [sflag:s20], $0x3C00  }
0x91: {  	[sflag:s20] =	ssyncset.done $0x0  }
0x92: {  	[sflag:s20] =	ssyncadd.s32 $0xFFFFC400  }
0x93: {  	_ =	sfence.sel $0x180000  }
0x94: {  	[bflag:$0x0] =	sbarrier.arrive $0xFFFF  }
0x95: {  	p0 =	sne.s32 s1, $0x0;
	_ =	strace $0x9000004A  }
0x96: {  	s0 =	sadd.s32 @!p0 $0x100000, s0;
	[bflag:$0x2] =	sbarrier.arrive $0xFFFF  }
0x97: {  	[sflag:s0] =	ssyncadd.tile.s32 @!p0 $0x1;
	_ =	shalt  }
.Lfunc_end2:
_tile_overlayer_lowered:
.L_overlay_start_2:
0x98: {  	(tag) =	ssettag $0x2  }
0x99: {  	s0 =	rddreg [dreg:$0x0];
	s2 =	stileid.u32  }
0x9a: {  	s1 =	rddreg [dreg:$0x1];
	p0 =	sne.s32 s2, $0x0  }
0x9b: {  	s3 =	rddreg [dreg:$0x2];
	[bflag:$0x3] =	sbarrier.arrive $0xFFFF;
	s2 =	simm.s32 @!p0 $0x1C02  }
0x9c: {  	[timem:s3], [sflag:s2] =	dma.local @!p0 [hbm:s0], s1  }
0x9d: {  	s0 =	simm.s32 @!p0 $0x2  }
0x9e: {  	_ =	swait.ge @!p0 [sflag:s0], s1  }
0x9f: {  	s1 =	ssub.s32 @!p0 $0x0, s1;
	[sflag:s0] =	ssyncset.done @!p0 $0x0  }
0xa0: {  	[sflag:s0] =	ssyncadd.s32 @!p0 s1  }
0xa1: {  	[bflag:$0x3] =	sbarrier.arrive $0xFFFF  }
0xa2: {  	_ =	shalt  }

</sc_bundles>
